<compile_context>
chip_gen: v7x
topology: tpu7x:2x2x1
jax: 0.10.2.dev20260603
libtpu: 0.0.44.dev20260713+nightly
codegen_flags: <defaults>
</compile_context>

<pallas_src>
import dataclasses
import functools

import jax
import jax.numpy as jnp
from jax import lax
from jax.experimental import pallas as pl
from jax.experimental.pallas import tpu as pltpu
from jax.experimental.pallas import tpu_sc as plsc

NBINS = 8192
LOSS_EPS = 1e-08
NC = 2
NS = 16
L = 16
NW = NC * NS
BLK_ROWS = 16


def _sc_histogram(inp):
    b, r, c = inp.shape
    mesh = plsc.VectorSubcoreMesh(core_axis_name="c", subcore_axis_name="s")
    cp = pltpu.CompilerParams(use_tc_tiling_on_sc=True)
    if "needs_layout_passes" in pltpu.CompilerParams.__dataclass_fields__:
        cp = dataclasses.replace(cp, needs_layout_passes=False)

    @functools.partial(
        pl.kernel,
        out_type=jax.ShapeDtypeStruct((NW, NBINS), jnp.int32),
        mesh=mesh,
        scratch_types=[pltpu.VMEM((NBINS,), jnp.int32)],
        compiler_params=cp,
    )
    def hist_kernel(idx_hbm, out_hbm, hist_v):
        wid = lax.axis_index("s") * NC + lax.axis_index("c")

        @pl.loop(0, NBINS, step=L)
        def _(i):
            hist_v[pl.ds(i, L)] = jnp.zeros((L,), jnp.int32)

        ones = jnp.ones((L,), jnp.int32)

        def body(idx_vmem):
            @pl.loop(0, BLK_ROWS, step=2)
            def _(row):
                @pl.loop(0, c, step=16 * L)
                def _(col):
                    xs = [
                        idx_vmem[0, row + rr, pl.ds(col + u * L, L)]
                        for rr in range(2)
                        for u in range(16)
                    ]
                    for x in xs:
                        plsc.addupdate_scatter(hist_v, [x], ones)

        pltpu.emit_pipeline(
            body,
            grid=(b, r // BLK_ROWS),
            in_specs=[
                pl.BlockSpec((1, BLK_ROWS, c), lambda i, j: (i, j, 0))
            ],
            out_specs=[],
            core_axis_name=("c", "s"),
            dimension_semantics=(pltpu.PARALLEL, pltpu.PARALLEL),
        )(idx_hbm)

        pltpu.sync_copy(hist_v, out_hbm.at[wid])

    return hist_kernel(inp)


def _tc_entropy(hists):
    def body(h_ref, o_ref):
        counts = jnp.sum(h_ref[...], axis=0, keepdims=True).astype(jnp.float32)
        counts = counts + LOSS_EPS
        p = counts / jnp.sum(counts)
        o_ref[...] = -jnp.sum(p * jnp.log(p), axis=1, keepdims=True)

    return pl.pallas_call(
        body,
        out_shape=jax.ShapeDtypeStruct((1, 1), jnp.float32),
    )(hists)


@jax.jit
def kernel(input):
    hists = _sc_histogram(input)
    return _tc_entropy(hists)[0, 0]

# --- scband reference (transcript-rebuilt; emitter-appended) ---
"""Pipeline reference for scband-codebook-entropy-loss-53008486367745 (READ-ONLY COPY).

The authoritative reference and input builder live on the scoring server;
editing this copy changes nothing except your own understanding.
"""

import jax, jax.numpy as jnp
import numpy as np

CODEBOOK_SIZE = 8192
EPS = 1e-08


def setup_inputs(seed: int = 0) -> dict:
    key = jax.random.key(seed)
    inp = jax.random.randint(key, (8, 1024, 1024), 0, CODEBOOK_SIZE, dtype=jnp.int32)
    return {"input": inp}


def reference(input) -> jnp.ndarray:
    # counts = bincount(input.view(-1), minlength=codebook_size).float()
    counts = jnp.bincount(input.reshape(-1), minlength=CODEBOOK_SIZE, length=CODEBOOK_SIZE).astype(jnp.float32)
    counts = counts + EPS
    p = counts / jnp.sum(counts)
    loss = -jnp.sum(p * jnp.log(p))
    return loss

if __name__ == "__main__":
    import jax
    _d = setup_inputs()
    print(jax.jit(kernel)(*tuple(_d.values())))

</pallas_src>

<mosaic_0001>
#map = affine_map<(d0, d1) -> (0, 0, 0)>
#map1 = affine_map<(d0, d1) -> (0, 0)>
module attributes {stable_mosaic.version = 14 : i64} {
  func.func @hist_kernel(%arg0: i32, %arg1: i32, %arg2: memref<8x1024x1024xi32, #tpu.memory_space<hbm>>, %arg3: memref<32x8192xi32, #tpu.memory_space<hbm>>, %arg4: memref<8192xi32, #tpu.memory_space<vmem>>) attributes {dimension_semantics = [#tpu.dimension_semantics<core_parallel>, #tpu.dimension_semantics<subcore_parallel>], iteration_bounds = array<i64: 2, 16>, scalar_prefetch = 0 : i64, scratch_operands = 1 : i64, tpu.core_type = #tpu.core_type<sc_vector_subcore>, window_params = [{transform_indices = #map}, {transform_indices = #map1}]} {
    %mul3A = arith.constant 2 : i32
    %mul3A_0 = arith.muli %arg1, %mul3A : i32
    %add3A = arith.addi %mul3A_0, %arg0 : i32
    %scan3A = arith.constant 0 : i32
    %scan3A_1 = arith.constant 512 : i32
    %scan3A_2 = arith.addi %scan3A, %scan3A_1 : i32
    %scan3A_3 = arith.constant 1 : i32
    scf.for %scan3A_15 = %scan3A to %scan3A_2 step %scan3A_3  : i32 {
      %mul3A_16 = arith.constant 16 : i32
      %mul3A_17 = arith.muli %scan3A_15, %mul3A_16 : i32
      %add3A_18 = arith.constant 0 : i32
      %add3A_19 = arith.addi %add3A_18, %mul3A_17 : i32
      %broadcast_in_dim3A_20 = arith.constant 0 : i32
      %broadcast_in_dim3A_21 = vector.broadcast %broadcast_in_dim3A_20 : i32 to vector<16xi32>
      %swap3A = arith.index_cast %add3A_19 : i32 to index
      %swap3A_22 = tpu.vector_load %arg4[%swap3A] {strides = array<i32>} : memref<8192xi32, #tpu.memory_space<vmem>>, vector<16xi32>,
      tpu.vector_store %arg4[%swap3A], %broadcast_in_dim3A_21 {strides = array<i32>} : memref<8192xi32, #tpu.memory_space<vmem>>, vector<16xi32>,
    }
    %scan3A_4 = arith.constant 512 : i32
    %broadcast_in_dim3A = arith.constant 1 : i32
    %broadcast_in_dim3A_5 = vector.broadcast %broadcast_in_dim3A : i32 to vector<16xi32>
    %mul3A_6 = arith.constant 1 : i32
    %mul3A_7 = arith.muli %arg1, %mul3A_6 : i32
    %add3A_8 = arith.constant 0 : i32
    %add3A_9 = arith.addi %add3A_8, %mul3A_7 : i32
    %mul3A_10 = arith.constant 16 : i32
    %mul3A_11 = arith.muli %arg0, %mul3A_10 : i32
    %add3A_12 = arith.addi %add3A_9, %mul3A_11 : i32
    %mul3A_13 = arith.constant 2 : i32
    %mul3A_14 = arith.muli %add3A_12, %mul3A_13 : i32
    "tpu.region"() ({
      %run_scoped3A = memref.alloca() : memref<2x1x16x1024xi32, #tpu.memory_space<vmem>>
      %run_scoped3A_15 = tpu.sem_alloc : memref<2x!tpu.dma_semaphore, #tpu.memory_space<semaphore_mem>>
      %add3A_16 = arith.constant 0 : i32
      %add3A_17 = arith.addi %add3A_16, %mul3A_14 : i32
      %select_n3A = arith.constant true
      %select_n3A_18 = arith.constant 0 : i32
      %select_n3A_19 = arith.constant -1 : i32
      %select_n3A_20 = arith.select %select_n3A, %select_n3A_19, %select_n3A_18 : i32
      %eq3A = arith.constant -1 : i32
      %eq3A_21 = arith.cmpi eq, %select_n3A_20, %eq3A : i32
      %select_n3A_22 = arith.constant 1 : i32
      %select_n3A_23 = arith.select %eq3A_21, %select_n3A_22, %select_n3A_20 : i32
      %select_n3A_24 = arith.constant 0 : i32
      %select_n3A_25 = arith.constant -1 : i32
      %select_n3A_26 = arith.select %eq3A_21, %select_n3A_25, %select_n3A_24 : i32
      %eq3A_27 = arith.constant -1 : i32
      %eq3A_28 = arith.cmpi eq, %select_n3A_26, %eq3A_27 : i32
      %select_n3A_29 = arith.constant 7 : i32
      %select_n3A_30 = arith.select %eq3A_28, %select_n3A_29, %select_n3A_26 : i32
      %add3A_31 = arith.constant 0 : i32
      %add3A_32 = arith.addi %select_n3A_30, %add3A_31 : i32
      %add3A_33 = arith.addi %select_n3A_23, %mul3A_14 : i32
      %select_n3A_34 = arith.constant true
      %select_n3A_35 = arith.constant 0 : i32
      %select_n3A_36 = arith.constant 1 : i32
      %select_n3A_37 = arith.select %select_n3A_34, %select_n3A_36, %select_n3A_35 : i32
      %eq3A_38 = arith.constant 2 : i32
      %eq3A_39 = arith.cmpi eq, %select_n3A_37, %eq3A_38 : i32
      %select_n3A_40 = arith.constant 0 : i32
      %select_n3A_41 = arith.select %eq3A_39, %select_n3A_40, %select_n3A_37 : i32
      %select_n3A_42 = arith.constant 0 : i32
      %select_n3A_43 = arith.constant 1 : i32
      %select_n3A_44 = arith.select %eq3A_39, %select_n3A_43, %select_n3A_42 : i32
      %eq3A_45 = arith.constant 8 : i32
      %eq3A_46 = arith.cmpi eq, %select_n3A_44, %eq3A_45 : i32
      %select_n3A_47 = arith.constant 0 : i32
      %select_n3A_48 = arith.select %eq3A_46, %select_n3A_47, %select_n3A_44 : i32
      %add3A_49 = arith.constant 0 : i32
      %add3A_50 = arith.addi %select_n3A_48, %add3A_49 : i32
      %add3A_51 = arith.addi %select_n3A_41, %mul3A_14 : i32
      %add3A_52 = arith.constant 1 : i32
      %add3A_53 = arith.addi %select_n3A_41, %add3A_52 : i32
      %select_n3A_54 = arith.constant true
      %select_n3A_55 = arith.select %select_n3A_54, %add3A_53, %select_n3A_41 : i32
      %eq3A_56 = arith.constant 2 : i32
      %eq3A_57 = arith.cmpi eq, %select_n3A_55, %eq3A_56 : i32
      %select_n3A_58 = arith.constant 0 : i32
      %select_n3A_59 = arith.select %eq3A_57, %select_n3A_58, %select_n3A_55 : i32
      %add3A_60 = arith.constant 1 : i32
      %add3A_61 = arith.addi %select_n3A_48, %add3A_60 : i32
      %select_n3A_62 = arith.select %eq3A_57, %add3A_61, %select_n3A_48 : i32
      %eq3A_63 = arith.constant 8 : i32
      %eq3A_64 = arith.cmpi eq, %select_n3A_62, %eq3A_63 : i32
      %select_n3A_65 = arith.constant 0 : i32
      %select_n3A_66 = arith.select %eq3A_64, %select_n3A_65, %select_n3A_62 : i32
      %add3A_67 = arith.constant 0 : i32
      %add3A_68 = arith.addi %select_n3A_66, %add3A_67 : i32
      %add3A_69 = arith.addi %select_n3A_59, %mul3A_14 : i32
      "tpu.trace_start"() <{level = 10 : i32, message = "ep_initialize_0"}> : () -> ()
      %rem3A = arith.constant 0 : i32
      %rem3A_70 = arith.constant 2 : i32
      %rem3A_71 = arith.remui %rem3A, %rem3A_70 : i32
      %mul3A_72 = arith.constant 16 : i32
      %mul3A_73 = arith.muli %mul3A_72, %add3A_17 : i32
      %dma_start3A = arith.constant 0 : i32
      %dma_start3A_74 = arith.constant 0 : i32
      %dma_start3A_75 = arith.constant 0 : i32
      %dma_start3A_76 = tpu.memref_slice %run_scoped3A[%rem3A_71, %dma_start3A, %dma_start3A_74, %dma_start3A_75] : memref<2x1x16x1024xi32, #tpu.memory_space<vmem>> -> memref<1x1x16x1024xi32, #tpu.memory_space<vmem>>
      %dma_start3A_77 = tpu.memref_squeeze %dma_start3A_76 : memref<1x1x16x1024xi32, #tpu.memory_space<vmem>> -> memref<1x16x1024xi32, #tpu.memory_space<vmem>>
      %dma_start3A_78 = arith.constant 0 : i32
      %dma_start3A_79 = arith.constant 0 : i32
      %dma_start3A_80 = tpu.memref_slice %arg2[%dma_start3A_78, %mul3A_73, %dma_start3A_79] : memref<8x1024x1024xi32, #tpu.memory_space<hbm>> -> memref<1x16x1024xi32, #tpu.memory_space<hbm>>
      %dma_start3A_81 = tpu.memref_slice %run_scoped3A_15[%rem3A_71] : memref<2x!tpu.dma_semaphore, #tpu.memory_space<semaphore_mem>> -> memref<1x!tpu.dma_semaphore, #tpu.memory_space<semaphore_mem>>
      %dma_start3A_82 = tpu.memref_squeeze %dma_start3A_81 : memref<1x!tpu.dma_semaphore, #tpu.memory_space<semaphore_mem>> -> memref<!tpu.dma_semaphore, #tpu.memory_space<semaphore_mem>>
      %dma_start3A_83 = arith.constant 0 : i32
      %dma_start3A_84 = arith.constant 0 : i32
      %dma_start3A_85 = arith.constant 0 : i32
      %dma_start3A_86 = tpu.memref_slice %run_scoped3A[%rem3A_71, %dma_start3A_83, %dma_start3A_84, %dma_start3A_85] : memref<2x1x16x1024xi32, #tpu.memory_space<vmem>> -> memref<1x1x16x1024xi32, #tpu.memory_space<vmem>>
      %dma_start3A_87 = tpu.memref_squeeze %dma_start3A_86 : memref<1x1x16x1024xi32, #tpu.memory_space<vmem>> -> memref<1x16x1024xi32, #tpu.memory_space<vmem>>
      %dma_start3A_88 = arith.constant 0 : i32
      %dma_start3A_89 = arith.constant 0 : i32
      %dma_start3A_90 = tpu.memref_slice %arg2[%dma_start3A_88, %mul3A_73, %dma_start3A_89] : memref<8x1024x1024xi32, #tpu.memory_space<hbm>> -> memref<1x16x1024xi32, #tpu.memory_space<hbm>>
      tpu.enqueue_dma source(%dma_start3A_90 : memref<1x16x1024xi32, #tpu.memory_space<hbm>>) target(%dma_start3A_87 : memref<1x16x1024xi32, #tpu.memory_space<vmem>>) target_semaphore(%dma_start3A_82 : memref<!tpu.dma_semaphore, #tpu.memory_space<semaphore_mem>>)
      %add3A_91 = arith.constant 0 : i32
      %add3A_92 = arith.constant 1 : i32
      %add3A_93 = arith.addi %add3A_91, %add3A_92 : i32
      %select_n3A_94 = arith.constant true
      %select_n3A_95 = arith.constant 0 : i32
      %select_n3A_96 = arith.select %select_n3A_94, %add3A_93, %select_n3A_95 : i32
      "tpu.trace_stop"() : () -> ()
      %scan3A_97 = arith.constant 0 : i32
      %scan3A_98 = arith.constant 0 : i32
      %scan3A_99 = arith.constant 0 : i32
      %scan3A_100 = arith.constant 0 : i32
      %scan3A_101 = arith.constant 16 : i32
      %scan3A_102 = arith.addi %scan3A_100, %scan3A_101 : i32
      %scan3A_103 = arith.constant 1 : i32
      %scan3A_104:4 = scf.for %scan3A_177 = %scan3A_100 to %scan3A_102 step %scan3A_103 iter_args(%scan3A_178 = %select_n3A_96, %scan3A_179 = %scan3A_97, %scan3A_180 = %scan3A_98, %scan3A_181 = %scan3A_99) -> (i32, i32, i32, i32)  : i32 {
        %eq3A_182 = arith.constant 0 : i32
        %eq3A_183 = arith.cmpi eq, %scan3A_177, %eq3A_182 : i32
        %eq3A_184 = arith.constant 15 : i32
        %eq3A_185 = arith.cmpi eq, %scan3A_177, %eq3A_184 : i32
        %add3A_186 = arith.constant 0 : i32
        %add3A_187 = arith.addi %scan3A_180, %add3A_186 : i32
        %add3A_188 = arith.addi %scan3A_181, %mul3A_14 : i32
        %sub3A_189 = arith.constant 1 : i32
        %sub3A_190 = arith.subi %scan3A_181, %sub3A_189 : i32
        %select_n3A_191 = arith.constant true
        %select_n3A_192 = arith.select %select_n3A_191, %sub3A_190, %scan3A_181 : i32
        %eq3A_193 = arith.constant -1 : i32
        %eq3A_194 = arith.cmpi eq, %select_n3A_192, %eq3A_193 : i32
        %select_n3A_195 = arith.constant 1 : i32
        %select_n3A_196 = arith.select %eq3A_194, %select_n3A_195, %select_n3A_192 : i32
        %sub3A_197 = arith.constant 1 : i32
        %sub3A_198 = arith.subi %scan3A_180, %sub3A_197 : i32
        %select_n3A_199 = arith.select %eq3A_194, %sub3A_198, %scan3A_180 : i32
        %eq3A_200 = arith.constant -1 : i32
        %eq3A_201 = arith.cmpi eq, %select_n3A_199, %eq3A_200 : i32
        %select_n3A_202 = arith.constant 7 : i32
        %select_n3A_203 = arith.select %eq3A_201, %select_n3A_202, %select_n3A_199 : i32
        %add3A_204 = arith.constant 0 : i32
        %add3A_205 = arith.addi %select_n3A_203, %add3A_204 : i32
        %add3A_206 = arith.addi %select_n3A_196, %mul3A_14 : i32
        %add3A_207 = arith.constant 1 : i32
        %add3A_208 = arith.addi %scan3A_181, %add3A_207 : i32
        %select_n3A_209 = arith.constant true
        %select_n3A_210 = arith.select %select_n3A_209, %add3A_208, %scan3A_181 : i32
        %eq3A_211 = arith.constant 2 : i32
        %eq3A_212 = arith.cmpi eq, %select_n3A_210, %eq3A_211 : i32
        %select_n3A_213 = arith.constant 0 : i32
        %select_n3A_214 = arith.select %eq3A_212, %select_n3A_213, %select_n3A_210 : i32
        %add3A_215 = arith.constant 1 : i32
        %add3A_216 = arith.addi %scan3A_180, %add3A_215 : i32
        %select_n3A_217 = arith.select %eq3A_212, %add3A_216, %scan3A_180 : i32
        %eq3A_218 = arith.constant 8 : i32
        %eq3A_219 = arith.cmpi eq, %select_n3A_217, %eq3A_218 : i32
        %select_n3A_220 = arith.constant 0 : i32
        %select_n3A_221 = arith.select %eq3A_219, %select_n3A_220, %select_n3A_217 : i32
        %add3A_222 = arith.constant 0 : i32
        %add3A_223 = arith.addi %select_n3A_221, %add3A_222 : i32
        %add3A_224 = arith.addi %select_n3A_214, %mul3A_14 : i32
        %add3A_225 = arith.constant 1 : i32
        %add3A_226 = arith.addi %select_n3A_214, %add3A_225 : i32
        %select_n3A_227 = arith.constant true
        %select_n3A_228 = arith.select %select_n3A_227, %add3A_226, %select_n3A_214 : i32
        %eq3A_229 = arith.constant 2 : i32
        %eq3A_230 = arith.cmpi eq, %select_n3A_228, %eq3A_229 : i32
        %select_n3A_231 = arith.constant 0 : i32
        %select_n3A_232 = arith.select %eq3A_230, %select_n3A_231, %select_n3A_228 : i32
        %add3A_233 = arith.constant 1 : i32
        %add3A_234 = arith.addi %select_n3A_221, %add3A_233 : i32
        %select_n3A_235 = arith.select %eq3A_230, %add3A_234, %select_n3A_221 : i32
        %eq3A_236 = arith.constant 8 : i32
        %eq3A_237 = arith.cmpi eq, %select_n3A_235, %eq3A_236 : i32
        %select_n3A_238 = arith.constant 0 : i32
        %select_n3A_239 = arith.select %eq3A_237, %select_n3A_238, %select_n3A_235 : i32
        %add3A_240 = arith.constant 0 : i32
        %add3A_241 = arith.addi %select_n3A_239, %add3A_240 : i32
        %add3A_242 = arith.addi %select_n3A_232, %mul3A_14 : i32
        %ne3A = arith.cmpi ne, %add3A_187, %add3A_223 : i32
        %ne3A_243 = arith.cmpi ne, %add3A_188, %add3A_224 : i32
        %or3A = arith.constant false
        %or3A_244 = arith.ori %or3A, %ne3A : i1
        %or3A_245 = arith.ori %or3A_244, %ne3A_243 : i1
        %or3A_246 = arith.constant false
        %or3A_247 = arith.ori %or3A_245, %or3A_246 : i1
        %ge3A = arith.constant 15 : i32
        %ge3A_248 = arith.cmpi sge, %scan3A_177, %ge3A : i32
        %not3A = arith.constant true
        %not3A_249 = arith.xori %ge3A_248, %not3A : i1
        %and3A = arith.andi %or3A_247, %not3A_249 : i1
        %convert_element_type3A = arith.extui %and3A : i1 to i32
        %cond3A = arith.constant 0 : i32
        %cond3A_250 = arith.cmpi ne, %convert_element_type3A, %cond3A : i32
        scf.if %cond3A_250 {
          "tpu.trace_start"() <{level = 10 : i32, message = "ep_copy_in"}> : () -> ()
          %rem3A_328 = arith.constant 2 : i32
          %rem3A_329 = arith.remui %scan3A_178, %rem3A_328 : i32
          %mul3A_330 = arith.constant 1 : i32
          %mul3A_331 = arith.muli %mul3A_330, %add3A_223 : i32
          %mul3A_332 = arith.constant 16 : i32
          %mul3A_333 = arith.muli %mul3A_332, %add3A_224 : i32
          %dma_start3A_334 = arith.constant 0 : i32
          %dma_start3A_335 = arith.constant 0 : i32
          %dma_start3A_336 = arith.constant 0 : i32
          %dma_start3A_337 = tpu.memref_slice %run_scoped3A[%rem3A_329, %dma_start3A_334, %dma_start3A_335, %dma_start3A_336] : memref<2x1x16x1024xi32, #tpu.memory_space<vmem>> -> memref<1x1x16x1024xi32, #tpu.memory_space<vmem>>
          %dma_start3A_338 = tpu.memref_squeeze %dma_start3A_337 : memref<1x1x16x1024xi32, #tpu.memory_space<vmem>> -> memref<1x16x1024xi32, #tpu.memory_space<vmem>>
          %dma_start3A_339 = arith.constant 0 : i32
          %dma_start3A_340 = tpu.memref_slice %arg2[%mul3A_331, %mul3A_333, %dma_start3A_339] : memref<8x1024x1024xi32, #tpu.memory_space<hbm>> -> memref<1x16x1024xi32, #tpu.memory_space<hbm>>
          %dma_start3A_341 = tpu.memref_slice %run_scoped3A_15[%rem3A_329] : memref<2x!tpu.dma_semaphore, #tpu.memory_space<semaphore_mem>> -> memref<1x!tpu.dma_semaphore, #tpu.memory_space<semaphore_mem>>
          %dma_start3A_342 = tpu.memref_squeeze %dma_start3A_341 : memref<1x!tpu.dma_semaphore, #tpu.memory_space<semaphore_mem>> -> memref<!tpu.dma_semaphore, #tpu.memory_space<semaphore_mem>>
          %dma_start3A_343 = arith.constant 0 : i32
          %dma_start3A_344 = arith.constant 0 : i32
          %dma_start3A_345 = arith.constant 0 : i32
          %dma_start3A_346 = tpu.memref_slice %run_scoped3A[%rem3A_329, %dma_start3A_343, %dma_start3A_344, %dma_start3A_345] : memref<2x1x16x1024xi32, #tpu.memory_space<vmem>> -> memref<1x1x16x1024xi32, #tpu.memory_space<vmem>>
          %dma_start3A_347 = tpu.memref_squeeze %dma_start3A_346 : memref<1x1x16x1024xi32, #tpu.memory_space<vmem>> -> memref<1x16x1024xi32, #tpu.memory_space<vmem>>
          %dma_start3A_348 = arith.constant 0 : i32
          %dma_start3A_349 = tpu.memref_slice %arg2[%mul3A_331, %mul3A_333, %dma_start3A_348] : memref<8x1024x1024xi32, #tpu.memory_space<hbm>> -> memref<1x16x1024xi32, #tpu.memory_space<hbm>>
          tpu.enqueue_dma source(%dma_start3A_349 : memref<1x16x1024xi32, #tpu.memory_space<hbm>>) target(%dma_start3A_347 : memref<1x16x1024xi32, #tpu.memory_space<vmem>>) target_semaphore(%dma_start3A_342 : memref<!tpu.dma_semaphore, #tpu.memory_space<semaphore_mem>>)
          "tpu.trace_stop"() : () -> ()
        } else {
        }
        %and3A_251 = arith.constant true
        %and3A_252 = arith.andi %and3A, %and3A_251 : i1
        %add3A_253 = arith.constant 1 : i32
        %add3A_254 = arith.addi %scan3A_178, %add3A_253 : i32
        %select_n3A_255 = arith.select %and3A_252, %add3A_254, %scan3A_178 : i32
        %ne3A_256 = arith.cmpi ne, %add3A_187, %add3A_205 : i32
        %ne3A_257 = arith.cmpi ne, %add3A_188, %add3A_206 : i32
        %or3A_258 = arith.constant false
        %or3A_259 = arith.ori %or3A_258, %ne3A_256 : i1
        %or3A_260 = arith.ori %or3A_259, %ne3A_257 : i1
        %or3A_261 = arith.constant false
        %or3A_262 = arith.ori %or3A_260, %or3A_261 : i1
        %or3A_263 = arith.ori %or3A_262, %eq3A_183 : i1
        %convert_element_type3A_264 = arith.extui %or3A_263 : i1 to i32
        %cond3A_265 = arith.constant 0 : i32
        %cond3A_266 = arith.cmpi ne, %convert_element_type3A_264, %cond3A_265 : i32
        scf.if %cond3A_266 {
          "tpu.trace_start"() <{level = 10 : i32, message = "ep_wait_in"}> : () -> ()
          %mul3A_328 = arith.constant 1 : i32
          %mul3A_329 = arith.muli %mul3A_328, %add3A_187 : i32
          %mul3A_330 = arith.constant 16 : i32
          %mul3A_331 = arith.muli %mul3A_330, %add3A_188 : i32
          %rem3A_332 = arith.constant 2 : i32
          %rem3A_333 = arith.remui %scan3A_179, %rem3A_332 : i32
          %dma_wait3A = arith.constant 0 : i32
          %dma_wait3A_334 = arith.constant 0 : i32
          %dma_wait3A_335 = arith.constant 0 : i32
          %dma_wait3A_336 = tpu.memref_slice %run_scoped3A[%rem3A_333, %dma_wait3A, %dma_wait3A_334, %dma_wait3A_335] : memref<2x1x16x1024xi32, #tpu.memory_space<vmem>> -> memref<1x1x16x1024xi32, #tpu.memory_space<vmem>>
          %dma_wait3A_337 = tpu.memref_squeeze %dma_wait3A_336 : memref<1x1x16x1024xi32, #tpu.memory_space<vmem>> -> memref<1x16x1024xi32, #tpu.memory_space<vmem>>
          %dma_wait3A_338 = arith.constant 0 : i32
          %dma_wait3A_339 = tpu.memref_slice %arg2[%mul3A_329, %mul3A_331, %dma_wait3A_338] : memref<8x1024x1024xi32, #tpu.memory_space<hbm>> -> memref<1x16x1024xi32, #tpu.memory_space<hbm>>
          %dma_wait3A_340 = tpu.memref_slice %run_scoped3A_15[%rem3A_333] : memref<2x!tpu.dma_semaphore, #tpu.memory_space<semaphore_mem>> -> memref<1x!tpu.dma_semaphore, #tpu.memory_space<semaphore_mem>>
          %dma_wait3A_341 = tpu.memref_squeeze %dma_wait3A_340 : memref<1x!tpu.dma_semaphore, #tpu.memory_space<semaphore_mem>> -> memref<!tpu.dma_semaphore, #tpu.memory_space<semaphore_mem>>
          %dma_wait3A_342 = arith.constant 0 : i32
          %dma_wait3A_343 = arith.constant 0 : i32
          %dma_wait3A_344 = arith.constant 0 : i32
          %dma_wait3A_345 = tpu.memref_slice %run_scoped3A[%rem3A_333, %dma_wait3A_342, %dma_wait3A_343, %dma_wait3A_344] : memref<2x1x16x1024xi32, #tpu.memory_space<vmem>> -> memref<1x1x16x1024xi32, #tpu.memory_space<vmem>>
          %dma_wait3A_346 = tpu.memref_squeeze %dma_wait3A_345 : memref<1x1x16x1024xi32, #tpu.memory_space<vmem>> -> memref<1x16x1024xi32, #tpu.memory_space<vmem>>
          %dma_wait3A_347 = arith.constant 0 : i32
          %dma_wait3A_348 = tpu.memref_slice %arg2[%mul3A_329, %mul3A_331, %dma_wait3A_347] : memref<8x1024x1024xi32, #tpu.memory_space<hbm>> -> memref<1x16x1024xi32, #tpu.memory_space<hbm>>
          tpu.wait_dma2 semaphore(%dma_wait3A_341 : memref<!tpu.dma_semaphore, #tpu.memory_space<semaphore_mem>>) src(%dma_wait3A_348 : memref<1x16x1024xi32, #tpu.memory_space<hbm>>) dst(%dma_wait3A_346 : memref<1x16x1024xi32, #tpu.memory_space<vmem>>)
          "tpu.trace_stop"() : () -> ()
        } else {
        }
        %rem3A_267 = arith.constant 2 : i32
        %rem3A_268 = arith.remui %scan3A_179, %rem3A_267 : i32
        "tpu.trace_start"() <{level = 10 : i32, message = "ep_run_kernel"}> : () -> ()
        %scan3A_269 = arith.constant 0 : i32
        %scan3A_270 = arith.constant 8 : i32
        %scan3A_271 = arith.addi %scan3A_269, %scan3A_270 : i32
        %scan3A_272 = arith.constant 1 : i32
        scf.for %scan3A_328 = %scan3A_269 to %scan3A_271 step %scan3A_272  : i32 {
          %mul3A_329 = arith.constant 2 : i32
          %mul3A_330 = arith.muli %scan3A_328, %mul3A_329 : i32
          %add3A_331 = arith.constant 0 : i32
          %add3A_332 = arith.addi %add3A_331, %mul3A_330 : i32
          %scan3A_333 = arith.constant 0 : i32
          %scan3A_334 = arith.constant 4 : i32
          %scan3A_335 = arith.addi %scan3A_333, %scan3A_334 : i32
          %scan3A_336 = arith.constant 1 : i32
          scf.for %scan3A_338 = %scan3A_333 to %scan3A_335 step %scan3A_336  : i32 {
            %mul3A_339 = arith.constant 256 : i32
            %mul3A_340 = arith.muli %scan3A_338, %mul3A_339 : i32
            %add3A_341 = arith.constant 0 : i32
            %add3A_342 = arith.addi %add3A_341, %mul3A_340 : i32
            %add3A_343 = arith.constant 0 : i32
            %add3A_344 = arith.addi %add3A_332, %add3A_343 : i32
            %add3A_345 = arith.constant 0 : i32
            %add3A_346 = arith.addi %add3A_342, %add3A_345 : i32
            %get3A = arith.constant 0 : i32
            %get3A_347 = arith.constant 0 : i32
            %get3A_348 = arith.constant 0 : i32
            %get3A_349 = arith.constant 0 : i32
            %get3A_350 = tpu.memref_slice %run_scoped3A[%rem3A_268, %get3A_347, %get3A_348, %get3A_349] : memref<2x1x16x1024xi32, #tpu.memory_space<vmem>> -> memref<1x1x16x1024xi32, #tpu.memory_space<vmem>>
            %get3A_351 = tpu.memref_squeeze %get3A_350 : memref<1x1x16x1024xi32, #tpu.memory_space<vmem>> -> memref<1x16x1024xi32, #tpu.memory_space<vmem>>
            %get3A_352 = arith.index_cast %get3A : i32 to index
            %get3A_353 = arith.index_cast %add3A_344 : i32 to index
            %get3A_354 = arith.index_cast %add3A_346 : i32 to index
            %get3A_355 = tpu.vector_load %get3A_351[%get3A_352, %get3A_353, %get3A_354] {strides = array<i32>} : memref<1x16x1024xi32, #tpu.memory_space<vmem>>, vector<16xi32>,
            %add3A_356 = arith.constant 0 : i32
            %add3A_357 = arith.addi %add3A_332, %add3A_356 : i32
            %add3A_358 = arith.constant 16 : i32
            %add3A_359 = arith.addi %add3A_342, %add3A_358 : i32
            %get3A_360 = arith.constant 0 : i32
            %get3A_361 = arith.constant 0 : i32
            %get3A_362 = arith.constant 0 : i32
            %get3A_363 = arith.constant 0 : i32
            %get3A_364 = tpu.memref_slice %run_scoped3A[%rem3A_268, %get3A_361, %get3A_362, %get3A_363] : memref<2x1x16x1024xi32, #tpu.memory_space<vmem>> -> memref<1x1x16x1024xi32, #tpu.memory_space<vmem>>
            %get3A_365 = tpu.memref_squeeze %get3A_364 : memref<1x1x16x1024xi32, #tpu.memory_space<vmem>> -> memref<1x16x1024xi32, #tpu.memory_space<vmem>>
            %get3A_366 = arith.index_cast %get3A_360 : i32 to index
            %get3A_367 = arith.index_cast %add3A_357 : i32 to index
            %get3A_368 = arith.index_cast %add3A_359 : i32 to index
            %get3A_369 = tpu.vector_load %get3A_365[%get3A_366, %get3A_367, %get3A_368] {strides = array<i32>} : memref<1x16x1024xi32, #tpu.memory_space<vmem>>, vector<16xi32>,
            %add3A_370 = arith.constant 0 : i32
            %add3A_371 = arith.addi %add3A_332, %add3A_370 : i32
            %add3A_372 = arith.constant 32 : i32
            %add3A_373 = arith.addi %add3A_342, %add3A_372 : i32
            %get3A_374 = arith.constant 0 : i32
            %get3A_375 = arith.constant 0 : i32
            %get3A_376 = arith.constant 0 : i32
            %get3A_377 = arith.constant 0 : i32
            %get3A_378 = tpu.memref_slice %run_scoped3A[%rem3A_268, %get3A_375, %get3A_376, %get3A_377] : memref<2x1x16x1024xi32, #tpu.memory_space<vmem>> -> memref<1x1x16x1024xi32, #tpu.memory_space<vmem>>
            %get3A_379 = tpu.memref_squeeze %get3A_378 : memref<1x1x16x1024xi32, #tpu.memory_space<vmem>> -> memref<1x16x1024xi32, #tpu.memory_space<vmem>>
            %get3A_380 = arith.index_cast %get3A_374 : i32 to index
            %get3A_381 = arith.index_cast %add3A_371 : i32 to index
            %get3A_382 = arith.index_cast %add3A_373 : i32 to index
            %get3A_383 = tpu.vector_load %get3A_379[%get3A_380, %get3A_381, %get3A_382] {strides = array<i32>} : memref<1x16x1024xi32, #tpu.memory_space<vmem>>, vector<16xi32>,
            %add3A_384 = arith.constant 0 : i32
            %add3A_385 = arith.addi %add3A_332, %add3A_384 : i32
            %add3A_386 = arith.constant 48 : i32
            %add3A_387 = arith.addi %add3A_342, %add3A_386 : i32
            %get3A_388 = arith.constant 0 : i32
            %get3A_389 = arith.constant 0 : i32
            %get3A_390 = arith.constant 0 : i32
            %get3A_391 = arith.constant 0 : i32
            %get3A_392 = tpu.memref_slice %run_scoped3A[%rem3A_268, %get3A_389, %get3A_390, %get3A_391] : memref<2x1x16x1024xi32, #tpu.memory_space<vmem>> -> memref<1x1x16x1024xi32, #tpu.memory_space<vmem>>
            %get3A_393 = tpu.memref_squeeze %get3A_392 : memref<1x1x16x1024xi32, #tpu.memory_space<vmem>> -> memref<1x16x1024xi32, #tpu.memory_space<vmem>>
            %get3A_394 = arith.index_cast %get3A_388 : i32 to index
            %get3A_395 = arith.index_cast %add3A_385 : i32 to index
            %get3A_396 = arith.index_cast %add3A_387 : i32 to index
            %get3A_397 = tpu.vector_load %get3A_393[%get3A_394, %get3A_395, %get3A_396] {strides = array<i32>} : memref<1x16x1024xi32, #tpu.memory_space<vmem>>, vector<16xi32>,
            %add3A_398 = arith.constant 0 : i32
            %add3A_399 = arith.addi %add3A_332, %add3A_398 : i32
            %add3A_400 = arith.constant 64 : i32
            %add3A_401 = arith.addi %add3A_342, %add3A_400 : i32
            %get3A_402 = arith.constant 0 : i32
            %get3A_403 = arith.constant 0 : i32
            %get3A_404 = arith.constant 0 : i32
            %get3A_405 = arith.constant 0 : i32
            %get3A_406 = tpu.memref_slice %run_scoped3A[%rem3A_268, %get3A_403, %get3A_404, %get3A_405] : memref<2x1x16x1024xi32, #tpu.memory_space<vmem>> -> memref<1x1x16x1024xi32, #tpu.memory_space<vmem>>
            %get3A_407 = tpu.memref_squeeze %get3A_406 : memref<1x1x16x1024xi32, #tpu.memory_space<vmem>> -> memref<1x16x1024xi32, #tpu.memory_space<vmem>>
            %get3A_408 = arith.index_cast %get3A_402 : i32 to index
            %get3A_409 = arith.index_cast %add3A_399 : i32 to index
            %get3A_410 = arith.index_cast %add3A_401 : i32 to index
            %get3A_411 = tpu.vector_load %get3A_407[%get3A_408, %get3A_409, %get3A_410] {strides = array<i32>} : memref<1x16x1024xi32, #tpu.memory_space<vmem>>, vector<16xi32>,
            %add3A_412 = arith.constant 0 : i32
            %add3A_413 = arith.addi %add3A_332, %add3A_412 : i32
            %add3A_414 = arith.constant 80 : i32
            %add3A_415 = arith.addi %add3A_342, %add3A_414 : i32
            %get3A_416 = arith.constant 0 : i32
            %get3A_417 = arith.constant 0 : i32
            %get3A_418 = arith.constant 0 : i32
            %get3A_419 = arith.constant 0 : i32
            %get3A_420 = tpu.memref_slice %run_scoped3A[%rem3A_268, %get3A_417, %get3A_418, %get3A_419] : memref<2x1x16x1024xi32, #tpu.memory_space<vmem>> -> memref<1x1x16x1024xi32, #tpu.memory_space<vmem>>
            %get3A_421 = tpu.memref_squeeze %get3A_420 : memref<1x1x16x1024xi32, #tpu.memory_space<vmem>> -> memref<1x16x1024xi32, #tpu.memory_space<vmem>>
            %get3A_422 = arith.index_cast %get3A_416 : i32 to index
            %get3A_423 = arith.index_cast %add3A_413 : i32 to index
            %get3A_424 = arith.index_cast %add3A_415 : i32 to index
            %get3A_425 = tpu.vector_load %get3A_421[%get3A_422, %get3A_423, %get3A_424] {strides = array<i32>} : memref<1x16x1024xi32, #tpu.memory_space<vmem>>, vector<16xi32>,
            %add3A_426 = arith.constant 0 : i32
            %add3A_427 = arith.addi %add3A_332, %add3A_426 : i32
            %add3A_428 = arith.constant 96 : i32
            %add3A_429 = arith.addi %add3A_342, %add3A_428 : i32
            %get3A_430 = arith.constant 0 : i32
            %get3A_431 = arith.constant 0 : i32
            %get3A_432 = arith.constant 0 : i32
            %get3A_433 = arith.constant 0 : i32
            %get3A_434 = tpu.memref_slice %run_scoped3A[%rem3A_268, %get3A_431, %get3A_432, %get3A_433] : memref<2x1x16x1024xi32, #tpu.memory_space<vmem>> -> memref<1x1x16x1024xi32, #tpu.memory_space<vmem>>
            %get3A_435 = tpu.memref_squeeze %get3A_434 : memref<1x1x16x1024xi32, #tpu.memory_space<vmem>> -> memref<1x16x1024xi32, #tpu.memory_space<vmem>>
            %get3A_436 = arith.index_cast %get3A_430 : i32 to index
            %get3A_437 = arith.index_cast %add3A_427 : i32 to index
            %get3A_438 = arith.index_cast %add3A_429 : i32 to index
            %get3A_439 = tpu.vector_load %get3A_435[%get3A_436, %get3A_437, %get3A_438] {strides = array<i32>} : memref<1x16x1024xi32, #tpu.memory_space<vmem>>, vector<16xi32>,
            %add3A_440 = arith.constant 0 : i32
            %add3A_441 = arith.addi %add3A_332, %add3A_440 : i32
            %add3A_442 = arith.constant 112 : i32
            %add3A_443 = arith.addi %add3A_342, %add3A_442 : i32
            %get3A_444 = arith.constant 0 : i32
            %get3A_445 = arith.constant 0 : i32
            %get3A_446 = arith.constant 0 : i32
            %get3A_447 = arith.constant 0 : i32
            %get3A_448 = tpu.memref_slice %run_scoped3A[%rem3A_268, %get3A_445, %get3A_446, %get3A_447] : memref<2x1x16x1024xi32, #tpu.memory_space<vmem>> -> memref<1x1x16x1024xi32, #tpu.memory_space<vmem>>
            %get3A_449 = tpu.memref_squeeze %get3A_448 : memref<1x1x16x1024xi32, #tpu.memory_space<vmem>> -> memref<1x16x1024xi32, #tpu.memory_space<vmem>>
            %get3A_450 = arith.index_cast %get3A_444 : i32 to index
            %get3A_451 = arith.index_cast %add3A_441 : i32 to index
            %get3A_452 = arith.index_cast %add3A_443 : i32 to index
            %get3A_453 = tpu.vector_load %get3A_449[%get3A_450, %get3A_451, %get3A_452] {strides = array<i32>} : memref<1x16x1024xi32, #tpu.memory_space<vmem>>, vector<16xi32>,
            %add3A_454 = arith.constant 0 : i32
            %add3A_455 = arith.addi %add3A_332, %add3A_454 : i32
            %add3A_456 = arith.constant 128 : i32
            %add3A_457 = arith.addi %add3A_342, %add3A_456 : i32
            %get3A_458 = arith.constant 0 : i32
            %get3A_459 = arith.constant 0 : i32
            %get3A_460 = arith.constant 0 : i32
            %get3A_461 = arith.constant 0 : i32
            %get3A_462 = tpu.memref_slice %run_scoped3A[%rem3A_268, %get3A_459, %get3A_460, %get3A_461] : memref<2x1x16x1024xi32, #tpu.memory_space<vmem>> -> memref<1x1x16x1024xi32, #tpu.memory_space<vmem>>
            %get3A_463 = tpu.memref_squeeze %get3A_462 : memref<1x1x16x1024xi32, #tpu.memory_space<vmem>> -> memref<1x16x1024xi32, #tpu.memory_space<vmem>>
            %get3A_464 = arith.index_cast %get3A_458 : i32 to index
            %get3A_465 = arith.index_cast %add3A_455 : i32 to index
            %get3A_466 = arith.index_cast %add3A_457 : i32 to index
            %get3A_467 = tpu.vector_load %get3A_463[%get3A_464, %get3A_465, %get3A_466] {strides = array<i32>} : memref<1x16x1024xi32, #tpu.memory_space<vmem>>, vector<16xi32>,
            %add3A_468 = arith.constant 0 : i32
            %add3A_469 = arith.addi %add3A_332, %add3A_468 : i32
            %add3A_470 = arith.constant 144 : i32
            %add3A_471 = arith.addi %add3A_342, %add3A_470 : i32
            %get3A_472 = arith.constant 0 : i32
            %get3A_473 = arith.constant 0 : i32
            %get3A_474 = arith.constant 0 : i32
            %get3A_475 = arith.constant 0 : i32
            %get3A_476 = tpu.memref_slice %run_scoped3A[%rem3A_268, %get3A_473, %get3A_474, %get3A_475] : memref<2x1x16x1024xi32, #tpu.memory_space<vmem>> -> memref<1x1x16x1024xi32, #tpu.memory_space<vmem>>
            %get3A_477 = tpu.memref_squeeze %get3A_476 : memref<1x1x16x1024xi32, #tpu.memory_space<vmem>> -> memref<1x16x1024xi32, #tpu.memory_space<vmem>>
            %get3A_478 = arith.index_cast %get3A_472 : i32 to index
            %get3A_479 = arith.index_cast %add3A_469 : i32 to index
            %get3A_480 = arith.index_cast %add3A_471 : i32 to index
            %get3A_481 = tpu.vector_load %get3A_477[%get3A_478, %get3A_479, %get3A_480] {strides = array<i32>} : memref<1x16x1024xi32, #tpu.memory_space<vmem>>, vector<16xi32>,
            %add3A_482 = arith.constant 0 : i32
            %add3A_483 = arith.addi %add3A_332, %add3A_482 : i32
            %add3A_484 = arith.constant 160 : i32
            %add3A_485 = arith.addi %add3A_342, %add3A_484 : i32
            %get3A_486 = arith.constant 0 : i32
            %get3A_487 = arith.constant 0 : i32
            %get3A_488 = arith.constant 0 : i32
            %get3A_489 = arith.constant 0 : i32
            %get3A_490 = tpu.memref_slice %run_scoped3A[%rem3A_268, %get3A_487, %get3A_488, %get3A_489] : memref<2x1x16x1024xi32, #tpu.memory_space<vmem>> -> memref<1x1x16x1024xi32, #tpu.memory_space<vmem>>
            %get3A_491 = tpu.memref_squeeze %get3A_490 : memref<1x1x16x1024xi32, #tpu.memory_space<vmem>> -> memref<1x16x1024xi32, #tpu.memory_space<vmem>>
            %get3A_492 = arith.index_cast %get3A_486 : i32 to index
            %get3A_493 = arith.index_cast %add3A_483 : i32 to index
            %get3A_494 = arith.index_cast %add3A_485 : i32 to index
            %get3A_495 = tpu.vector_load %get3A_491[%get3A_492, %get3A_493, %get3A_494] {strides = array<i32>} : memref<1x16x1024xi32, #tpu.memory_space<vmem>>, vector<16xi32>,
            %add3A_496 = arith.constant 0 : i32
            %add3A_497 = arith.addi %add3A_332, %add3A_496 : i32
            %add3A_498 = arith.constant 176 : i32
            %add3A_499 = arith.addi %add3A_342, %add3A_498 : i32
            %get3A_500 = arith.constant 0 : i32
            %get3A_501 = arith.constant 0 : i32
            %get3A_502 = arith.constant 0 : i32
            %get3A_503 = arith.constant 0 : i32
            %get3A_504 = tpu.memref_slice %run_scoped3A[%rem3A_268, %get3A_501, %get3A_502, %get3A_503] : memref<2x1x16x1024xi32, #tpu.memory_space<vmem>> -> memref<1x1x16x1024xi32, #tpu.memory_space<vmem>>
            %get3A_505 = tpu.memref_squeeze %get3A_504 : memref<1x1x16x1024xi32, #tpu.memory_space<vmem>> -> memref<1x16x1024xi32, #tpu.memory_space<vmem>>
            %get3A_506 = arith.index_cast %get3A_500 : i32 to index
            %get3A_507 = arith.index_cast %add3A_497 : i32 to index
            %get3A_508 = arith.index_cast %add3A_499 : i32 to index
            %get3A_509 = tpu.vector_load %get3A_505[%get3A_506, %get3A_507, %get3A_508] {strides = array<i32>} : memref<1x16x1024xi32, #tpu.memory_space<vmem>>, vector<16xi32>,
            %add3A_510 = arith.constant 0 : i32
            %add3A_511 = arith.addi %add3A_332, %add3A_510 : i32
            %add3A_512 = arith.constant 192 : i32
            %add3A_513 = arith.addi %add3A_342, %add3A_512 : i32
            %get3A_514 = arith.constant 0 : i32
            %get3A_515 = arith.constant 0 : i32
            %get3A_516 = arith.constant 0 : i32
            %get3A_517 = arith.constant 0 : i32
            %get3A_518 = tpu.memref_slice %run_scoped3A[%rem3A_268, %get3A_515, %get3A_516, %get3A_517] : memref<2x1x16x1024xi32, #tpu.memory_space<vmem>> -> memref<1x1x16x1024xi32, #tpu.memory_space<vmem>>
            %get3A_519 = tpu.memref_squeeze %get3A_518 : memref<1x1x16x1024xi32, #tpu.memory_space<vmem>> -> memref<1x16x1024xi32, #tpu.memory_space<vmem>>
            %get3A_520 = arith.index_cast %get3A_514 : i32 to index
            %get3A_521 = arith.index_cast %add3A_511 : i32 to index
            %get3A_522 = arith.index_cast %add3A_513 : i32 to index
            %get3A_523 = tpu.vector_load %get3A_519[%get3A_520, %get3A_521, %get3A_522] {strides = array<i32>} : memref<1x16x1024xi32, #tpu.memory_space<vmem>>, vector<16xi32>,
            %add3A_524 = arith.constant 0 : i32
            %add3A_525 = arith.addi %add3A_332, %add3A_524 : i32
            %add3A_526 = arith.constant 208 : i32
            %add3A_527 = arith.addi %add3A_342, %add3A_526 : i32
            %get3A_528 = arith.constant 0 : i32
            %get3A_529 = arith.constant 0 : i32
            %get3A_530 = arith.constant 0 : i32
            %get3A_531 = arith.constant 0 : i32
            %get3A_532 = tpu.memref_slice %run_scoped3A[%rem3A_268, %get3A_529, %get3A_530, %get3A_531] : memref<2x1x16x1024xi32, #tpu.memory_space<vmem>> -> memref<1x1x16x1024xi32, #tpu.memory_space<vmem>>
            %get3A_533 = tpu.memref_squeeze %get3A_532 : memref<1x1x16x1024xi32, #tpu.memory_space<vmem>> -> memref<1x16x1024xi32, #tpu.memory_space<vmem>>
            %get3A_534 = arith.index_cast %get3A_528 : i32 to index
            %get3A_535 = arith.index_cast %add3A_525 : i32 to index
            %get3A_536 = arith.index_cast %add3A_527 : i32 to index
            %get3A_537 = tpu.vector_load %get3A_533[%get3A_534, %get3A_535, %get3A_536] {strides = array<i32>} : memref<1x16x1024xi32, #tpu.memory_space<vmem>>, vector<16xi32>,
            %add3A_538 = arith.constant 0 : i32
            %add3A_539 = arith.addi %add3A_332, %add3A_538 : i32
            %add3A_540 = arith.constant 224 : i32
            %add3A_541 = arith.addi %add3A_342, %add3A_540 : i32
            %get3A_542 = arith.constant 0 : i32
            %get3A_543 = arith.constant 0 : i32
            %get3A_544 = arith.constant 0 : i32
            %get3A_545 = arith.constant 0 : i32
            %get3A_546 = tpu.memref_slice %run_scoped3A[%rem3A_268, %get3A_543, %get3A_544, %get3A_545] : memref<2x1x16x1024xi32, #tpu.memory_space<vmem>> -> memref<1x1x16x1024xi32, #tpu.memory_space<vmem>>
            %get3A_547 = tpu.memref_squeeze %get3A_546 : memref<1x1x16x1024xi32, #tpu.memory_space<vmem>> -> memref<1x16x1024xi32, #tpu.memory_space<vmem>>
            %get3A_548 = arith.index_cast %get3A_542 : i32 to index
            %get3A_549 = arith.index_cast %add3A_539 : i32 to index
            %get3A_550 = arith.index_cast %add3A_541 : i32 to index
            %get3A_551 = tpu.vector_load %get3A_547[%get3A_548, %get3A_549, %get3A_550] {strides = array<i32>} : memref<1x16x1024xi32, #tpu.memory_space<vmem>>, vector<16xi32>,
            %add3A_552 = arith.constant 0 : i32
            %add3A_553 = arith.addi %add3A_332, %add3A_552 : i32
            %add3A_554 = arith.constant 240 : i32
            %add3A_555 = arith.addi %add3A_342, %add3A_554 : i32
            %get3A_556 = arith.constant 0 : i32
            %get3A_557 = arith.constant 0 : i32
            %get3A_558 = arith.constant 0 : i32
            %get3A_559 = arith.constant 0 : i32
            %get3A_560 = tpu.memref_slice %run_scoped3A[%rem3A_268, %get3A_557, %get3A_558, %get3A_559] : memref<2x1x16x1024xi32, #tpu.memory_space<vmem>> -> memref<1x1x16x1024xi32, #tpu.memory_space<vmem>>
            %get3A_561 = tpu.memref_squeeze %get3A_560 : memref<1x1x16x1024xi32, #tpu.memory_space<vmem>> -> memref<1x16x1024xi32, #tpu.memory_space<vmem>>
            %get3A_562 = arith.index_cast %get3A_556 : i32 to index
            %get3A_563 = arith.index_cast %add3A_553 : i32 to index
            %get3A_564 = arith.index_cast %add3A_555 : i32 to index
            %get3A_565 = tpu.vector_load %get3A_561[%get3A_562, %get3A_563, %get3A_564] {strides = array<i32>} : memref<1x16x1024xi32, #tpu.memory_space<vmem>>, vector<16xi32>,
            %add3A_566 = arith.constant 1 : i32
            %add3A_567 = arith.addi %add3A_332, %add3A_566 : i32
            %add3A_568 = arith.constant 0 : i32
            %add3A_569 = arith.addi %add3A_342, %add3A_568 : i32
            %get3A_570 = arith.constant 0 : i32
            %get3A_571 = arith.constant 0 : i32
            %get3A_572 = arith.constant 0 : i32
            %get3A_573 = arith.constant 0 : i32
            %get3A_574 = tpu.memref_slice %run_scoped3A[%rem3A_268, %get3A_571, %get3A_572, %get3A_573] : memref<2x1x16x1024xi32, #tpu.memory_space<vmem>> -> memref<1x1x16x1024xi32, #tpu.memory_space<vmem>>
            %get3A_575 = tpu.memref_squeeze %get3A_574 : memref<1x1x16x1024xi32, #tpu.memory_space<vmem>> -> memref<1x16x1024xi32, #tpu.memory_space<vmem>>
            %get3A_576 = arith.index_cast %get3A_570 : i32 to index
            %get3A_577 = arith.index_cast %add3A_567 : i32 to index
            %get3A_578 = arith.index_cast %add3A_569 : i32 to index
            %get3A_579 = tpu.vector_load %get3A_575[%get3A_576, %get3A_577, %get3A_578] {strides = array<i32>} : memref<1x16x1024xi32, #tpu.memory_space<vmem>>, vector<16xi32>,
            %add3A_580 = arith.constant 1 : i32
            %add3A_581 = arith.addi %add3A_332, %add3A_580 : i32
            %add3A_582 = arith.constant 16 : i32
            %add3A_583 = arith.addi %add3A_342, %add3A_582 : i32
            %get3A_584 = arith.constant 0 : i32
            %get3A_585 = arith.constant 0 : i32
            %get3A_586 = arith.constant 0 : i32
            %get3A_587 = arith.constant 0 : i32
            %get3A_588 = tpu.memref_slice %run_scoped3A[%rem3A_268, %get3A_585, %get3A_586, %get3A_587] : memref<2x1x16x1024xi32, #tpu.memory_space<vmem>> -> memref<1x1x16x1024xi32, #tpu.memory_space<vmem>>
            %get3A_589 = tpu.memref_squeeze %get3A_588 : memref<1x1x16x1024xi32, #tpu.memory_space<vmem>> -> memref<1x16x1024xi32, #tpu.memory_space<vmem>>
            %get3A_590 = arith.index_cast %get3A_584 : i32 to index
            %get3A_591 = arith.index_cast %add3A_581 : i32 to index
            %get3A_592 = arith.index_cast %add3A_583 : i32 to index
            %get3A_593 = tpu.vector_load %get3A_589[%get3A_590, %get3A_591, %get3A_592] {strides = array<i32>} : memref<1x16x1024xi32, #tpu.memory_space<vmem>>, vector<16xi32>,
            %add3A_594 = arith.constant 1 : i32
            %add3A_595 = arith.addi %add3A_332, %add3A_594 : i32
            %add3A_596 = arith.constant 32 : i32
            %add3A_597 = arith.addi %add3A_342, %add3A_596 : i32
            %get3A_598 = arith.constant 0 : i32
            %get3A_599 = arith.constant 0 : i32
            %get3A_600 = arith.constant 0 : i32
            %get3A_601 = arith.constant 0 : i32
            %get3A_602 = tpu.memref_slice %run_scoped3A[%rem3A_268, %get3A_599, %get3A_600, %get3A_601] : memref<2x1x16x1024xi32, #tpu.memory_space<vmem>> -> memref<1x1x16x1024xi32, #tpu.memory_space<vmem>>
            %get3A_603 = tpu.memref_squeeze %get3A_602 : memref<1x1x16x1024xi32, #tpu.memory_space<vmem>> -> memref<1x16x1024xi32, #tpu.memory_space<vmem>>
            %get3A_604 = arith.index_cast %get3A_598 : i32 to index
            %get3A_605 = arith.index_cast %add3A_595 : i32 to index
            %get3A_606 = arith.index_cast %add3A_597 : i32 to index
            %get3A_607 = tpu.vector_load %get3A_603[%get3A_604, %get3A_605, %get3A_606] {strides = array<i32>} : memref<1x16x1024xi32, #tpu.memory_space<vmem>>, vector<16xi32>,
            %add3A_608 = arith.constant 1 : i32
            %add3A_609 = arith.addi %add3A_332, %add3A_608 : i32
            %add3A_610 = arith.constant 48 : i32
            %add3A_611 = arith.addi %add3A_342, %add3A_610 : i32
            %get3A_612 = arith.constant 0 : i32
            %get3A_613 = arith.constant 0 : i32
            %get3A_614 = arith.constant 0 : i32
            %get3A_615 = arith.constant 0 : i32
            %get3A_616 = tpu.memref_slice %run_scoped3A[%rem3A_268, %get3A_613, %get3A_614, %get3A_615] : memref<2x1x16x1024xi32, #tpu.memory_space<vmem>> -> memref<1x1x16x1024xi32, #tpu.memory_space<vmem>>
            %get3A_617 = tpu.memref_squeeze %get3A_616 : memref<1x1x16x1024xi32, #tpu.memory_space<vmem>> -> memref<1x16x1024xi32, #tpu.memory_space<vmem>>
            %get3A_618 = arith.index_cast %get3A_612 : i32 to index
            %get3A_619 = arith.index_cast %add3A_609 : i32 to index
            %get3A_620 = arith.index_cast %add3A_611 : i32 to index
            %get3A_621 = tpu.vector_load %get3A_617[%get3A_618, %get3A_619, %get3A_620] {strides = array<i32>} : memref<1x16x1024xi32, #tpu.memory_space<vmem>>, vector<16xi32>,
            %add3A_622 = arith.constant 1 : i32
            %add3A_623 = arith.addi %add3A_332, %add3A_622 : i32
            %add3A_624 = arith.constant 64 : i32
            %add3A_625 = arith.addi %add3A_342, %add3A_624 : i32
            %get3A_626 = arith.constant 0 : i32
            %get3A_627 = arith.constant 0 : i32
            %get3A_628 = arith.constant 0 : i32
            %get3A_629 = arith.constant 0 : i32
            %get3A_630 = tpu.memref_slice %run_scoped3A[%rem3A_268, %get3A_627, %get3A_628, %get3A_629] : memref<2x1x16x1024xi32, #tpu.memory_space<vmem>> -> memref<1x1x16x1024xi32, #tpu.memory_space<vmem>>
            %get3A_631 = tpu.memref_squeeze %get3A_630 : memref<1x1x16x1024xi32, #tpu.memory_space<vmem>> -> memref<1x16x1024xi32, #tpu.memory_space<vmem>>
            %get3A_632 = arith.index_cast %get3A_626 : i32 to index
            %get3A_633 = arith.index_cast %add3A_623 : i32 to index
            %get3A_634 = arith.index_cast %add3A_625 : i32 to index
            %get3A_635 = tpu.vector_load %get3A_631[%get3A_632, %get3A_633, %get3A_634] {strides = array<i32>} : memref<1x16x1024xi32, #tpu.memory_space<vmem>>, vector<16xi32>,
            %add3A_636 = arith.constant 1 : i32
            %add3A_637 = arith.addi %add3A_332, %add3A_636 : i32
            %add3A_638 = arith.constant 80 : i32
            %add3A_639 = arith.addi %add3A_342, %add3A_638 : i32
            %get3A_640 = arith.constant 0 : i32
            %get3A_641 = arith.constant 0 : i32
            %get3A_642 = arith.constant 0 : i32
            %get3A_643 = arith.constant 0 : i32
            %get3A_644 = tpu.memref_slice %run_scoped3A[%rem3A_268, %get3A_641, %get3A_642, %get3A_643] : memref<2x1x16x1024xi32, #tpu.memory_space<vmem>> -> memref<1x1x16x1024xi32, #tpu.memory_space<vmem>>
            %get3A_645 = tpu.memref_squeeze %get3A_644 : memref<1x1x16x1024xi32, #tpu.memory_space<vmem>> -> memref<1x16x1024xi32, #tpu.memory_space<vmem>>
            %get3A_646 = arith.index_cast %get3A_640 : i32 to index
            %get3A_647 = arith.index_cast %add3A_637 : i32 to index
            %get3A_648 = arith.index_cast %add3A_639 : i32 to index
            %get3A_649 = tpu.vector_load %get3A_645[%get3A_646, %get3A_647, %get3A_648] {strides = array<i32>} : memref<1x16x1024xi32, #tpu.memory_space<vmem>>, vector<16xi32>,
            %add3A_650 = arith.constant 1 : i32
            %add3A_651 = arith.addi %add3A_332, %add3A_650 : i32
            %add3A_652 = arith.constant 96 : i32
            %add3A_653 = arith.addi %add3A_342, %add3A_652 : i32
            %get3A_654 = arith.constant 0 : i32
            %get3A_655 = arith.constant 0 : i32
            %get3A_656 = arith.constant 0 : i32
            %get3A_657 = arith.constant 0 : i32
            %get3A_658 = tpu.memref_slice %run_scoped3A[%rem3A_268, %get3A_655, %get3A_656, %get3A_657] : memref<2x1x16x1024xi32, #tpu.memory_space<vmem>> -> memref<1x1x16x1024xi32, #tpu.memory_space<vmem>>
            %get3A_659 = tpu.memref_squeeze %get3A_658 : memref<1x1x16x1024xi32, #tpu.memory_space<vmem>> -> memref<1x16x1024xi32, #tpu.memory_space<vmem>>
            %get3A_660 = arith.index_cast %get3A_654 : i32 to index
            %get3A_661 = arith.index_cast %add3A_651 : i32 to index
            %get3A_662 = arith.index_cast %add3A_653 : i32 to index
            %get3A_663 = tpu.vector_load %get3A_659[%get3A_660, %get3A_661, %get3A_662] {strides = array<i32>} : memref<1x16x1024xi32, #tpu.memory_space<vmem>>, vector<16xi32>,
            %add3A_664 = arith.constant 1 : i32
            %add3A_665 = arith.addi %add3A_332, %add3A_664 : i32
            %add3A_666 = arith.constant 112 : i32
            %add3A_667 = arith.addi %add3A_342, %add3A_666 : i32
            %get3A_668 = arith.constant 0 : i32
            %get3A_669 = arith.constant 0 : i32
            %get3A_670 = arith.constant 0 : i32
            %get3A_671 = arith.constant 0 : i32
            %get3A_672 = tpu.memref_slice %run_scoped3A[%rem3A_268, %get3A_669, %get3A_670, %get3A_671] : memref<2x1x16x1024xi32, #tpu.memory_space<vmem>> -> memref<1x1x16x1024xi32, #tpu.memory_space<vmem>>
            %get3A_673 = tpu.memref_squeeze %get3A_672 : memref<1x1x16x1024xi32, #tpu.memory_space<vmem>> -> memref<1x16x1024xi32, #tpu.memory_space<vmem>>
            %get3A_674 = arith.index_cast %get3A_668 : i32 to index
            %get3A_675 = arith.index_cast %add3A_665 : i32 to index
            %get3A_676 = arith.index_cast %add3A_667 : i32 to index
            %get3A_677 = tpu.vector_load %get3A_673[%get3A_674, %get3A_675, %get3A_676] {strides = array<i32>} : memref<1x16x1024xi32, #tpu.memory_space<vmem>>, vector<16xi32>,
            %add3A_678 = arith.constant 1 : i32
            %add3A_679 = arith.addi %add3A_332, %add3A_678 : i32
            %add3A_680 = arith.constant 128 : i32
            %add3A_681 = arith.addi %add3A_342, %add3A_680 : i32
            %get3A_682 = arith.constant 0 : i32
            %get3A_683 = arith.constant 0 : i32
            %get3A_684 = arith.constant 0 : i32
            %get3A_685 = arith.constant 0 : i32
            %get3A_686 = tpu.memref_slice %run_scoped3A[%rem3A_268, %get3A_683, %get3A_684, %get3A_685] : memref<2x1x16x1024xi32, #tpu.memory_space<vmem>> -> memref<1x1x16x1024xi32, #tpu.memory_space<vmem>>
            %get3A_687 = tpu.memref_squeeze %get3A_686 : memref<1x1x16x1024xi32, #tpu.memory_space<vmem>> -> memref<1x16x1024xi32, #tpu.memory_space<vmem>>
            %get3A_688 = arith.index_cast %get3A_682 : i32 to index
            %get3A_689 = arith.index_cast %add3A_679 : i32 to index
            %get3A_690 = arith.index_cast %add3A_681 : i32 to index
            %get3A_691 = tpu.vector_load %get3A_687[%get3A_688, %get3A_689, %get3A_690] {strides = array<i32>} : memref<1x16x1024xi32, #tpu.memory_space<vmem>>, vector<16xi32>,
            %add3A_692 = arith.constant 1 : i32
            %add3A_693 = arith.addi %add3A_332, %add3A_692 : i32
            %add3A_694 = arith.constant 144 : i32
            %add3A_695 = arith.addi %add3A_342, %add3A_694 : i32
            %get3A_696 = arith.constant 0 : i32
            %get3A_697 = arith.constant 0 : i32
            %get3A_698 = arith.constant 0 : i32
            %get3A_699 = arith.constant 0 : i32
            %get3A_700 = tpu.memref_slice %run_scoped3A[%rem3A_268, %get3A_697, %get3A_698, %get3A_699] : memref<2x1x16x1024xi32, #tpu.memory_space<vmem>> -> memref<1x1x16x1024xi32, #tpu.memory_space<vmem>>
            %get3A_701 = tpu.memref_squeeze %get3A_700 : memref<1x1x16x1024xi32, #tpu.memory_space<vmem>> -> memref<1x16x1024xi32, #tpu.memory_space<vmem>>
            %get3A_702 = arith.index_cast %get3A_696 : i32 to index
            %get3A_703 = arith.index_cast %add3A_693 : i32 to index
            %get3A_704 = arith.index_cast %add3A_695 : i32 to index
            %get3A_705 = tpu.vector_load %get3A_701[%get3A_702, %get3A_703, %get3A_704] {strides = array<i32>} : memref<1x16x1024xi32, #tpu.memory_space<vmem>>, vector<16xi32>,
            %add3A_706 = arith.constant 1 : i32
            %add3A_707 = arith.addi %add3A_332, %add3A_706 : i32
            %add3A_708 = arith.constant 160 : i32
            %add3A_709 = arith.addi %add3A_342, %add3A_708 : i32
            %get3A_710 = arith.constant 0 : i32
            %get3A_711 = arith.constant 0 : i32
            %get3A_712 = arith.constant 0 : i32
            %get3A_713 = arith.constant 0 : i32
            %get3A_714 = tpu.memref_slice %run_scoped3A[%rem3A_268, %get3A_711, %get3A_712, %get3A_713] : memref<2x1x16x1024xi32, #tpu.memory_space<vmem>> -> memref<1x1x16x1024xi32, #tpu.memory_space<vmem>>
            %get3A_715 = tpu.memref_squeeze %get3A_714 : memref<1x1x16x1024xi32, #tpu.memory_space<vmem>> -> memref<1x16x1024xi32, #tpu.memory_space<vmem>>
            %get3A_716 = arith.index_cast %get3A_710 : i32 to index
            %get3A_717 = arith.index_cast %add3A_707 : i32 to index
            %get3A_718 = arith.index_cast %add3A_709 : i32 to index
            %get3A_719 = tpu.vector_load %get3A_715[%get3A_716, %get3A_717, %get3A_718] {strides = array<i32>} : memref<1x16x1024xi32, #tpu.memory_space<vmem>>, vector<16xi32>,
            %add3A_720 = arith.constant 1 : i32
            %add3A_721 = arith.addi %add3A_332, %add3A_720 : i32
            %add3A_722 = arith.constant 176 : i32
            %add3A_723 = arith.addi %add3A_342, %add3A_722 : i32
            %get3A_724 = arith.constant 0 : i32
            %get3A_725 = arith.constant 0 : i32
            %get3A_726 = arith.constant 0 : i32
            %get3A_727 = arith.constant 0 : i32
            %get3A_728 = tpu.memref_slice %run_scoped3A[%rem3A_268, %get3A_725, %get3A_726, %get3A_727] : memref<2x1x16x1024xi32, #tpu.memory_space<vmem>> -> memref<1x1x16x1024xi32, #tpu.memory_space<vmem>>
            %get3A_729 = tpu.memref_squeeze %get3A_728 : memref<1x1x16x1024xi32, #tpu.memory_space<vmem>> -> memref<1x16x1024xi32, #tpu.memory_space<vmem>>
            %get3A_730 = arith.index_cast %get3A_724 : i32 to index
            %get3A_731 = arith.index_cast %add3A_721 : i32 to index
            %get3A_732 = arith.index_cast %add3A_723 : i32 to index
            %get3A_733 = tpu.vector_load %get3A_729[%get3A_730, %get3A_731, %get3A_732] {strides = array<i32>} : memref<1x16x1024xi32, #tpu.memory_space<vmem>>, vector<16xi32>,
            %add3A_734 = arith.constant 1 : i32
            %add3A_735 = arith.addi %add3A_332, %add3A_734 : i32
            %add3A_736 = arith.constant 192 : i32
            %add3A_737 = arith.addi %add3A_342, %add3A_736 : i32
            %get3A_738 = arith.constant 0 : i32
            %get3A_739 = arith.constant 0 : i32
            %get3A_740 = arith.constant 0 : i32
            %get3A_741 = arith.constant 0 : i32
            %get3A_742 = tpu.memref_slice %run_scoped3A[%rem3A_268, %get3A_739, %get3A_740, %get3A_741] : memref<2x1x16x1024xi32, #tpu.memory_space<vmem>> -> memref<1x1x16x1024xi32, #tpu.memory_space<vmem>>
            %get3A_743 = tpu.memref_squeeze %get3A_742 : memref<1x1x16x1024xi32, #tpu.memory_space<vmem>> -> memref<1x16x1024xi32, #tpu.memory_space<vmem>>
            %get3A_744 = arith.index_cast %get3A_738 : i32 to index
            %get3A_745 = arith.index_cast %add3A_735 : i32 to index
            %get3A_746 = arith.index_cast %add3A_737 : i32 to index
            %get3A_747 = tpu.vector_load %get3A_743[%get3A_744, %get3A_745, %get3A_746] {strides = array<i32>} : memref<1x16x1024xi32, #tpu.memory_space<vmem>>, vector<16xi32>,
            %add3A_748 = arith.constant 1 : i32
            %add3A_749 = arith.addi %add3A_332, %add3A_748 : i32
            %add3A_750 = arith.constant 208 : i32
            %add3A_751 = arith.addi %add3A_342, %add3A_750 : i32
            %get3A_752 = arith.constant 0 : i32
            %get3A_753 = arith.constant 0 : i32
            %get3A_754 = arith.constant 0 : i32
            %get3A_755 = arith.constant 0 : i32
            %get3A_756 = tpu.memref_slice %run_scoped3A[%rem3A_268, %get3A_753, %get3A_754, %get3A_755] : memref<2x1x16x1024xi32, #tpu.memory_space<vmem>> -> memref<1x1x16x1024xi32, #tpu.memory_space<vmem>>
            %get3A_757 = tpu.memref_squeeze %get3A_756 : memref<1x1x16x1024xi32, #tpu.memory_space<vmem>> -> memref<1x16x1024xi32, #tpu.memory_space<vmem>>
            %get3A_758 = arith.index_cast %get3A_752 : i32 to index
            %get3A_759 = arith.index_cast %add3A_749 : i32 to index
            %get3A_760 = arith.index_cast %add3A_751 : i32 to index
            %get3A_761 = tpu.vector_load %get3A_757[%get3A_758, %get3A_759, %get3A_760] {strides = array<i32>} : memref<1x16x1024xi32, #tpu.memory_space<vmem>>, vector<16xi32>,
            %add3A_762 = arith.constant 1 : i32
            %add3A_763 = arith.addi %add3A_332, %add3A_762 : i32
            %add3A_764 = arith.constant 224 : i32
            %add3A_765 = arith.addi %add3A_342, %add3A_764 : i32
            %get3A_766 = arith.constant 0 : i32
            %get3A_767 = arith.constant 0 : i32
            %get3A_768 = arith.constant 0 : i32
            %get3A_769 = arith.constant 0 : i32
            %get3A_770 = tpu.memref_slice %run_scoped3A[%rem3A_268, %get3A_767, %get3A_768, %get3A_769] : memref<2x1x16x1024xi32, #tpu.memory_space<vmem>> -> memref<1x1x16x1024xi32, #tpu.memory_space<vmem>>
            %get3A_771 = tpu.memref_squeeze %get3A_770 : memref<1x1x16x1024xi32, #tpu.memory_space<vmem>> -> memref<1x16x1024xi32, #tpu.memory_space<vmem>>
            %get3A_772 = arith.index_cast %get3A_766 : i32 to index
            %get3A_773 = arith.index_cast %add3A_763 : i32 to index
            %get3A_774 = arith.index_cast %add3A_765 : i32 to index
            %get3A_775 = tpu.vector_load %get3A_771[%get3A_772, %get3A_773, %get3A_774] {strides = array<i32>} : memref<1x16x1024xi32, #tpu.memory_space<vmem>>, vector<16xi32>,
            %add3A_776 = arith.constant 1 : i32
            %add3A_777 = arith.addi %add3A_332, %add3A_776 : i32
            %add3A_778 = arith.constant 240 : i32
            %add3A_779 = arith.addi %add3A_342, %add3A_778 : i32
            %get3A_780 = arith.constant 0 : i32
            %get3A_781 = arith.constant 0 : i32
            %get3A_782 = arith.constant 0 : i32
            %get3A_783 = arith.constant 0 : i32
            %get3A_784 = tpu.memref_slice %run_scoped3A[%rem3A_268, %get3A_781, %get3A_782, %get3A_783] : memref<2x1x16x1024xi32, #tpu.memory_space<vmem>> -> memref<1x1x16x1024xi32, #tpu.memory_space<vmem>>
            %get3A_785 = tpu.memref_squeeze %get3A_784 : memref<1x1x16x1024xi32, #tpu.memory_space<vmem>> -> memref<1x16x1024xi32, #tpu.memory_space<vmem>>
            %get3A_786 = arith.index_cast %get3A_780 : i32 to index
            %get3A_787 = arith.index_cast %add3A_777 : i32 to index
            %get3A_788 = arith.index_cast %add3A_779 : i32 to index
            %get3A_789 = tpu.vector_load %get3A_785[%get3A_786, %get3A_787, %get3A_788] {strides = array<i32>} : memref<1x16x1024xi32, #tpu.memory_space<vmem>>, vector<16xi32>,
            tpu.vector_store_idx %arg4[%get3A_355], %broadcast_in_dim3A_5 {add = true} : memref<8192xi32, #tpu.memory_space<vmem>>[vector<16xi32>], vector<16xi32>,
            tpu.vector_store_idx %arg4[%get3A_369], %broadcast_in_dim3A_5 {add = true} : memref<8192xi32, #tpu.memory_space<vmem>>[vector<16xi32>], vector<16xi32>,
            tpu.vector_store_idx %arg4[%get3A_383], %broadcast_in_dim3A_5 {add = true} : memref<8192xi32, #tpu.memory_space<vmem>>[vector<16xi32>], vector<16xi32>,
            tpu.vector_store_idx %arg4[%get3A_397], %broadcast_in_dim3A_5 {add = true} : memref<8192xi32, #tpu.memory_space<vmem>>[vector<16xi32>], vector<16xi32>,
            tpu.vector_store_idx %arg4[%get3A_411], %broadcast_in_dim3A_5 {add = true} : memref<8192xi32, #tpu.memory_space<vmem>>[vector<16xi32>], vector<16xi32>,
            tpu.vector_store_idx %arg4[%get3A_425], %broadcast_in_dim3A_5 {add = true} : memref<8192xi32, #tpu.memory_space<vmem>>[vector<16xi32>], vector<16xi32>,
            tpu.vector_store_idx %arg4[%get3A_439], %broadcast_in_dim3A_5 {add = true} : memref<8192xi32, #tpu.memory_space<vmem>>[vector<16xi32>], vector<16xi32>,
            tpu.vector_store_idx %arg4[%get3A_453], %broadcast_in_dim3A_5 {add = true} : memref<8192xi32, #tpu.memory_space<vmem>>[vector<16xi32>], vector<16xi32>,
            tpu.vector_store_idx %arg4[%get3A_467], %broadcast_in_dim3A_5 {add = true} : memref<8192xi32, #tpu.memory_space<vmem>>[vector<16xi32>], vector<16xi32>,
            tpu.vector_store_idx %arg4[%get3A_481], %broadcast_in_dim3A_5 {add = true} : memref<8192xi32, #tpu.memory_space<vmem>>[vector<16xi32>], vector<16xi32>,
            tpu.vector_store_idx %arg4[%get3A_495], %broadcast_in_dim3A_5 {add = true} : memref<8192xi32, #tpu.memory_space<vmem>>[vector<16xi32>], vector<16xi32>,
            tpu.vector_store_idx %arg4[%get3A_509], %broadcast_in_dim3A_5 {add = true} : memref<8192xi32, #tpu.memory_space<vmem>>[vector<16xi32>], vector<16xi32>,
            tpu.vector_store_idx %arg4[%get3A_523], %broadcast_in_dim3A_5 {add = true} : memref<8192xi32, #tpu.memory_space<vmem>>[vector<16xi32>], vector<16xi32>,
            tpu.vector_store_idx %arg4[%get3A_537], %broadcast_in_dim3A_5 {add = true} : memref<8192xi32, #tpu.memory_space<vmem>>[vector<16xi32>], vector<16xi32>,
            tpu.vector_store_idx %arg4[%get3A_551], %broadcast_in_dim3A_5 {add = true} : memref<8192xi32, #tpu.memory_space<vmem>>[vector<16xi32>], vector<16xi32>,
            tpu.vector_store_idx %arg4[%get3A_565], %broadcast_in_dim3A_5 {add = true} : memref<8192xi32, #tpu.memory_space<vmem>>[vector<16xi32>], vector<16xi32>,
            tpu.vector_store_idx %arg4[%get3A_579], %broadcast_in_dim3A_5 {add = true} : memref<8192xi32, #tpu.memory_space<vmem>>[vector<16xi32>], vector<16xi32>,
            tpu.vector_store_idx %arg4[%get3A_593], %broadcast_in_dim3A_5 {add = true} : memref<8192xi32, #tpu.memory_space<vmem>>[vector<16xi32>], vector<16xi32>,
            tpu.vector_store_idx %arg4[%get3A_607], %broadcast_in_dim3A_5 {add = true} : memref<8192xi32, #tpu.memory_space<vmem>>[vector<16xi32>], vector<16xi32>,
            tpu.vector_store_idx %arg4[%get3A_621], %broadcast_in_dim3A_5 {add = true} : memref<8192xi32, #tpu.memory_space<vmem>>[vector<16xi32>], vector<16xi32>,
            tpu.vector_store_idx %arg4[%get3A_635], %broadcast_in_dim3A_5 {add = true} : memref<8192xi32, #tpu.memory_space<vmem>>[vector<16xi32>], vector<16xi32>,
            tpu.vector_store_idx %arg4[%get3A_649], %broadcast_in_dim3A_5 {add = true} : memref<8192xi32, #tpu.memory_space<vmem>>[vector<16xi32>], vector<16xi32>,
            tpu.vector_store_idx %arg4[%get3A_663], %broadcast_in_dim3A_5 {add = true} : memref<8192xi32, #tpu.memory_space<vmem>>[vector<16xi32>], vector<16xi32>,
            tpu.vector_store_idx %arg4[%get3A_677], %broadcast_in_dim3A_5 {add = true} : memref<8192xi32, #tpu.memory_space<vmem>>[vector<16xi32>], vector<16xi32>,
            tpu.vector_store_idx %arg4[%get3A_691], %broadcast_in_dim3A_5 {add = true} : memref<8192xi32, #tpu.memory_space<vmem>>[vector<16xi32>], vector<16xi32>,
            tpu.vector_store_idx %arg4[%get3A_705], %broadcast_in_dim3A_5 {add = true} : memref<8192xi32, #tpu.memory_space<vmem>>[vector<16xi32>], vector<16xi32>,
            tpu.vector_store_idx %arg4[%get3A_719], %broadcast_in_dim3A_5 {add = true} : memref<8192xi32, #tpu.memory_space<vmem>>[vector<16xi32>], vector<16xi32>,
            tpu.vector_store_idx %arg4[%get3A_733], %broadcast_in_dim3A_5 {add = true} : memref<8192xi32, #tpu.memory_space<vmem>>[vector<16xi32>], vector<16xi32>,
            tpu.vector_store_idx %arg4[%get3A_747], %broadcast_in_dim3A_5 {add = true} : memref<8192xi32, #tpu.memory_space<vmem>>[vector<16xi32>], vector<16xi32>,
            tpu.vector_store_idx %arg4[%get3A_761], %broadcast_in_dim3A_5 {add = true} : memref<8192xi32, #tpu.memory_space<vmem>>[vector<16xi32>], vector<16xi32>,
            tpu.vector_store_idx %arg4[%get3A_775], %broadcast_in_dim3A_5 {add = true} : memref<8192xi32, #tpu.memory_space<vmem>>[vector<16xi32>], vector<16xi32>,
            tpu.vector_store_idx %arg4[%get3A_789], %broadcast_in_dim3A_5 {add = true} : memref<8192xi32, #tpu.memory_space<vmem>>[vector<16xi32>], vector<16xi32>,
          }
          %scan3A_337 = arith.constant 4 : i32
        }
        %scan3A_273 = arith.constant 8 : i32
        "tpu.trace_stop"() : () -> ()
        %ne3A_274 = arith.cmpi ne, %add3A_187, %add3A_223 : i32
        %ne3A_275 = arith.cmpi ne, %add3A_188, %add3A_224 : i32
        %or3A_276 = arith.constant false
        %or3A_277 = arith.ori %or3A_276, %ne3A_274 : i1
        %or3A_278 = arith.ori %or3A_277, %ne3A_275 : i1
        %or3A_279 = arith.constant false
        %or3A_280 = arith.ori %or3A_278, %or3A_279 : i1
        %or3A_281 = arith.ori %or3A_280, %eq3A_185 : i1
        %convert_element_type3A_282 = arith.extui %or3A_281 : i1 to i32
        %cond3A_283 = arith.constant 0 : i32
        %cond3A_284 = arith.cmpi ne, %convert_element_type3A_282, %cond3A_283 : i32
        scf.if %cond3A_284 {
        } else {
        }
        %and3A_285 = arith.constant false
        %and3A_286 = arith.andi %or3A_281, %and3A_285 : i1
        %ne3A_287 = arith.cmpi ne, %add3A_187, %add3A_205 : i32
        %ne3A_288 = arith.cmpi ne, %add3A_188, %add3A_206 : i32
        %or3A_289 = arith.constant false
        %or3A_290 = arith.ori %or3A_289, %ne3A_287 : i1
        %or3A_291 = arith.ori %or3A_290, %ne3A_288 : i1
        %or3A_292 = arith.constant false
        %or3A_293 = arith.ori %or3A_291, %or3A_292 : i1
        %not3A_294 = arith.constant true
        %not3A_295 = arith.xori %eq3A_183, %not3A_294 : i1
        %and3A_296 = arith.andi %or3A_293, %not3A_295 : i1
        %convert_element_type3A_297 = arith.extui %and3A_296 : i1 to i32
        %cond3A_298 = arith.constant 0 : i32
        %cond3A_299 = arith.cmpi ne, %convert_element_type3A_297, %cond3A_298 : i32
        scf.if %cond3A_299 {
        } else {
        }
        %and3A_300 = arith.constant false
        %and3A_301 = arith.andi %and3A_296, %and3A_300 : i1
        %ne3A_302 = arith.cmpi ne, %add3A_187, %add3A_223 : i32
        %ne3A_303 = arith.cmpi ne, %add3A_188, %add3A_224 : i32
        %or3A_304 = arith.constant false
        %or3A_305 = arith.ori %or3A_304, %ne3A_302 : i1
        %or3A_306 = arith.ori %or3A_305, %ne3A_303 : i1
        %or3A_307 = arith.constant false
        %or3A_308 = arith.ori %or3A_306, %or3A_307 : i1
        %or3A_309 = arith.ori %or3A_308, %eq3A_185 : i1
        %add3A_310 = arith.constant 1 : i32
        %add3A_311 = arith.addi %scan3A_179, %add3A_310 : i32
        %select_n3A_312 = arith.select %or3A_309, %add3A_311, %scan3A_179 : i32
        %add3A_313 = arith.constant 1 : i32
        %add3A_314 = arith.addi %scan3A_181, %add3A_313 : i32
        %select_n3A_315 = arith.constant true
        %select_n3A_316 = arith.select %select_n3A_315, %add3A_314, %scan3A_181 : i32
        %eq3A_317 = arith.constant 2 : i32
        %eq3A_318 = arith.cmpi eq, %select_n3A_316, %eq3A_317 : i32
        %select_n3A_319 = arith.constant 0 : i32
        %select_n3A_320 = arith.select %eq3A_318, %select_n3A_319, %select_n3A_316 : i32
        %add3A_321 = arith.constant 1 : i32
        %add3A_322 = arith.addi %scan3A_180, %add3A_321 : i32
        %select_n3A_323 = arith.select %eq3A_318, %add3A_322, %scan3A_180 : i32
        %eq3A_324 = arith.constant 8 : i32
        %eq3A_325 = arith.cmpi eq, %select_n3A_323, %eq3A_324 : i32
        %select_n3A_326 = arith.constant 0 : i32
        %select_n3A_327 = arith.select %eq3A_325, %select_n3A_326, %select_n3A_323 : i32
        scf.yield %select_n3A_255, %select_n3A_312, %select_n3A_327, %select_n3A_320 : i32, i32, i32, i32
      }
      %scan3A_105 = arith.constant 16 : i32
      %sub3A = arith.constant 1 : i32
      %sub3A_106 = arith.subi %scan3A_104#3, %sub3A : i32
      %select_n3A_107 = arith.constant true
      %select_n3A_108 = arith.select %select_n3A_107, %sub3A_106, %scan3A_104#3 : i32
      %eq3A_109 = arith.constant -1 : i32
      %eq3A_110 = arith.cmpi eq, %select_n3A_108, %eq3A_109 : i32
      %select_n3A_111 = arith.constant 1 : i32
      %select_n3A_112 = arith.select %eq3A_110, %select_n3A_111, %select_n3A_108 : i32
      %sub3A_113 = arith.constant 1 : i32
      %sub3A_114 = arith.subi %scan3A_104#2, %sub3A_113 : i32
      %select_n3A_115 = arith.select %eq3A_110, %sub3A_114, %scan3A_104#2 : i32
      %eq3A_116 = arith.constant -1 : i32
      %eq3A_117 = arith.cmpi eq, %select_n3A_115, %eq3A_116 : i32
      %select_n3A_118 = arith.constant 7 : i32
      %select_n3A_119 = arith.select %eq3A_117, %select_n3A_118, %select_n3A_115 : i32
      %add3A_120 = arith.constant 0 : i32
      %add3A_121 = arith.addi %select_n3A_119, %add3A_120 : i32
      %add3A_122 = arith.addi %select_n3A_112, %mul3A_14 : i32
      %sub3A_123 = arith.constant 1 : i32
      %sub3A_124 = arith.subi %select_n3A_112, %sub3A_123 : i32
      %select_n3A_125 = arith.constant true
      %select_n3A_126 = arith.select %select_n3A_125, %sub3A_124, %select_n3A_112 : i32
      %eq3A_127 = arith.constant -1 : i32
      %eq3A_128 = arith.cmpi eq, %select_n3A_126, %eq3A_127 : i32
      %select_n3A_129 = arith.constant 1 : i32
      %select_n3A_130 = arith.select %eq3A_128, %select_n3A_129, %select_n3A_126 : i32
      %sub3A_131 = arith.constant 1 : i32
      %sub3A_132 = arith.subi %select_n3A_119, %sub3A_131 : i32
      %select_n3A_133 = arith.select %eq3A_128, %sub3A_132, %select_n3A_119 : i32
      %eq3A_134 = arith.constant -1 : i32
      %eq3A_135 = arith.cmpi eq, %select_n3A_133, %eq3A_134 : i32
      %select_n3A_136 = arith.constant 7 : i32
      %select_n3A_137 = arith.select %eq3A_135, %select_n3A_136, %select_n3A_133 : i32
      %add3A_138 = arith.constant 0 : i32
      %add3A_139 = arith.addi %select_n3A_137, %add3A_138 : i32
      %add3A_140 = arith.addi %select_n3A_130, %mul3A_14 : i32
      %add3A_141 = arith.constant 1 : i32
      %add3A_142 = arith.addi %select_n3A_112, %add3A_141 : i32
      %select_n3A_143 = arith.constant true
      %select_n3A_144 = arith.select %select_n3A_143, %add3A_142, %select_n3A_112 : i32
      %eq3A_145 = arith.constant 2 : i32
      %eq3A_146 = arith.cmpi eq, %select_n3A_144, %eq3A_145 : i32
      %select_n3A_147 = arith.constant 0 : i32
      %select_n3A_148 = arith.select %eq3A_146, %select_n3A_147, %select_n3A_144 : i32
      %add3A_149 = arith.constant 1 : i32
      %add3A_150 = arith.addi %select_n3A_119, %add3A_149 : i32
      %select_n3A_151 = arith.select %eq3A_146, %add3A_150, %select_n3A_119 : i32
      %eq3A_152 = arith.constant 8 : i32
      %eq3A_153 = arith.cmpi eq, %select_n3A_151, %eq3A_152 : i32
      %select_n3A_154 = arith.constant 0 : i32
      %select_n3A_155 = arith.select %eq3A_153, %select_n3A_154, %select_n3A_151 : i32
      %add3A_156 = arith.constant 0 : i32
      %add3A_157 = arith.addi %select_n3A_155, %add3A_156 : i32
      %add3A_158 = arith.addi %select_n3A_148, %mul3A_14 : i32
      %add3A_159 = arith.constant 1 : i32
      %add3A_160 = arith.addi %select_n3A_148, %add3A_159 : i32
      %select_n3A_161 = arith.constant true
      %select_n3A_162 = arith.select %select_n3A_161, %add3A_160, %select_n3A_148 : i32
      %eq3A_163 = arith.constant 2 : i32
      %eq3A_164 = arith.cmpi eq, %select_n3A_162, %eq3A_163 : i32
      %select_n3A_165 = arith.constant 0 : i32
      %select_n3A_166 = arith.select %eq3A_164, %select_n3A_165, %select_n3A_162 : i32
      %add3A_167 = arith.constant 1 : i32
      %add3A_168 = arith.addi %select_n3A_155, %add3A_167 : i32
      %select_n3A_169 = arith.select %eq3A_164, %add3A_168, %select_n3A_155 : i32
      %eq3A_170 = arith.constant 8 : i32
      %eq3A_171 = arith.cmpi eq, %select_n3A_169, %eq3A_170 : i32
      %select_n3A_172 = arith.constant 0 : i32
      %select_n3A_173 = arith.select %eq3A_171, %select_n3A_172, %select_n3A_169 : i32
      %add3A_174 = arith.constant 0 : i32
      %add3A_175 = arith.addi %select_n3A_173, %add3A_174 : i32
      %add3A_176 = arith.addi %select_n3A_166, %mul3A_14 : i32
      tpu.yield
    }) : () -> ()
    "tpu.region"() ({
      %run_scoped3A = tpu.sem_alloc : memref<!tpu.dma_semaphore, #tpu.memory_space<semaphore_mem>>
      %dma_start3A = arith.constant 0 : i32
      %dma_start3A_15 = tpu.memref_slice %arg3[%add3A, %dma_start3A] : memref<32x8192xi32, #tpu.memory_space<hbm>> -> memref<1x8192xi32, #tpu.memory_space<hbm>>
      %dma_start3A_16 = tpu.memref_squeeze %dma_start3A_15 : memref<1x8192xi32, #tpu.memory_space<hbm>> -> memref<8192xi32, #tpu.memory_space<hbm>>
      %dma_start3A_17 = arith.constant 0 : i32
      %dma_start3A_18 = tpu.memref_slice %arg3[%add3A, %dma_start3A_17] : memref<32x8192xi32, #tpu.memory_space<hbm>> -> memref<1x8192xi32, #tpu.memory_space<hbm>>
      %dma_start3A_19 = tpu.memref_squeeze %dma_start3A_18 : memref<1x8192xi32, #tpu.memory_space<hbm>> -> memref<8192xi32, #tpu.memory_space<hbm>>
      tpu.enqueue_dma source(%arg4 : memref<8192xi32, #tpu.memory_space<vmem>>) target(%dma_start3A_19 : memref<8192xi32, #tpu.memory_space<hbm>>) target_semaphore(%run_scoped3A : memref<!tpu.dma_semaphore, #tpu.memory_space<semaphore_mem>>)
      %dma_wait3A = arith.constant 0 : i32
      %dma_wait3A_20 = tpu.memref_slice %arg3[%add3A, %dma_wait3A] : memref<32x8192xi32, #tpu.memory_space<hbm>> -> memref<1x8192xi32, #tpu.memory_space<hbm>>
      %dma_wait3A_21 = tpu.memref_squeeze %dma_wait3A_20 : memref<1x8192xi32, #tpu.memory_space<hbm>> -> memref<8192xi32, #tpu.memory_space<hbm>>
      %dma_wait3A_22 = arith.constant 0 : i32
      %dma_wait3A_23 = tpu.memref_slice %arg3[%add3A, %dma_wait3A_22] : memref<32x8192xi32, #tpu.memory_space<hbm>> -> memref<1x8192xi32, #tpu.memory_space<hbm>>
      %dma_wait3A_24 = tpu.memref_squeeze %dma_wait3A_23 : memref<1x8192xi32, #tpu.memory_space<hbm>> -> memref<8192xi32, #tpu.memory_space<hbm>>
      tpu.wait_dma2 semaphore(%run_scoped3A : memref<!tpu.dma_semaphore, #tpu.memory_space<semaphore_mem>>) src(%arg4 : memref<8192xi32, #tpu.memory_space<vmem>>) dst(%dma_wait3A_24 : memref<8192xi32, #tpu.memory_space<hbm>>)
      tpu.yield
    }) : () -> ()
    return
  }
}

module attributes {stable_mosaic.version = 14 : i64} {
  func.func @body(%arg0: memref<32x8192xi32, #tpu.memory_space<vmem>>, %arg1: memref<1x1xf32, #tpu.memory_space<vmem>>) attributes {dimension_semantics = [], scalar_prefetch = 0 : i64, scratch_operands = 0 : i64, tpu.core_type = #tpu.core_type<tc>} {
    %get3A = arith.constant 0 : index
    %get3A_0 = arith.constant 0 : index
    %get3A_1 = vector.load %arg0[%get3A, %get3A_0] : memref<32x8192xi32, #tpu.memory_space<vmem>>, vector<32x8192xi32>
    %reduce_sum3A = arith.constant dense<0> : vector<8192xi32>
    %reduce_sum3A_2 = vector.multi_reduction <add>, %get3A_1, %reduce_sum3A [0] : vector<32x8192xi32> to vector<8192xi32>
    %broadcast_in_dim3A = vector.shape_cast %reduce_sum3A_2 : vector<8192xi32> to vector<1x8192xi32>
    %convert_element_type3A = arith.sitofp %broadcast_in_dim3A : vector<1x8192xi32> to vector<1x8192xf32>
    %add3A = arith.constant 9.99999993E-9 : f32
    %add3A_3 = vector.broadcast %add3A : f32 to vector<1x8192xf32>
    %add3A_4 = arith.addf %convert_element_type3A, %add3A_3 : vector<1x8192xf32>
    %reduce_sum3A_5 = vector.shape_cast %add3A_4 : vector<1x8192xf32> to vector<1x1x8192xf32>
    %reduce_sum3A_6 = arith.constant dense<0.000000e+00> : vector<1xf32>
    %reduce_sum3A_7 = vector.multi_reduction <add>, %reduce_sum3A_5, %reduce_sum3A_6 [1, 2] : vector<1x1x8192xf32> to vector<1xf32>
    %reduce_sum3A_8 = vector.shape_cast %reduce_sum3A_7 : vector<1xf32> to vector<1x1x1xf32>
    %reduce_sum3A_9 = vector.extract %reduce_sum3A_8[0, 0, 0] : f32 from vector<1x1x1xf32>
    %div3A = vector.broadcast %reduce_sum3A_9 : f32 to vector<1x8192xf32>
    %div3A_10 = arith.divf %add3A_4, %div3A : vector<1x8192xf32>
    %log3A = math.log %div3A_10 : vector<1x8192xf32>
    %mul3A = arith.mulf %div3A_10, %log3A : vector<1x8192xf32>
    %reduce_sum3A_11 = arith.constant dense<0.000000e+00> : vector<1xf32>
    %reduce_sum3A_12 = vector.multi_reduction <add>, %mul3A, %reduce_sum3A_11 [1] : vector<1x8192xf32> to vector<1xf32>
    %broadcast_in_dim3A_13 = vector.shape_cast %reduce_sum3A_12 : vector<1xf32> to vector<1x1xf32>
    %neg3A = arith.constant 0.000000e+00 : f32
    %neg3A_14 = vector.broadcast %neg3A : f32 to vector<1x1xf32>
    %neg3A_15 = arith.subf %neg3A_14, %broadcast_in_dim3A_13 : vector<1x1xf32>
    %swap3A = arith.constant 0 : index
    %swap3A_16 = arith.constant 0 : index
    %swap3A_17 = vector.load %arg1[%swap3A, %swap3A_16] : memref<1x1xf32, #tpu.memory_space<vmem>>, vector<1x1xf32>
    tpu.vector_store %arg1[%swap3A, %swap3A_16], %neg3A_15 {strides = array<i32>} : memref<1x1xf32, #tpu.memory_space<vmem>>, vector<1x1xf32>,
    return
  }
}

</mosaic_0001>

<sc_bundles>
// kernel: kernel.4.cloned.1.call-start
scs
__scs_entry_jumppad:
0x0: {  	(pc) =	sbr.rel $0x88, $3  }
0x1: {  	(tag) =	ssettag $0x0;
	lr =	simm.s32 $0x1  }
0x2: {  	[smem:$0x3FA0] =	sst lr;
	_ =	strace $0xD0000000  }
0x3: {  	_ = 	snop  }
0x4: {  	_ = 	snop  }
0x5: {  	_ = 	snop  }
0x6: {  	_ = 	snop  }
0x7: {  	_ = 	snop  }
__scs_overlays_trampoline_lowered:
0x8: {  	[smem:$0x3FAF] =	sst s0  }
0x9: {  	[smem:$0x3FB0] =	sst s1  }
0xa: {  	[smem:$0x3FB1] =	sst s2  }
0xb: {  	[smem:$0x3FB2] =	sst s3  }
0xc: {  	[smem:$0x3FB3] =	sst s4  }
0xd: {  	[smem:$0x3FB4] =	sst s5  }
0xe: {  	[smem:$0x3FB5] =	sst s6  }
0xf: {  	[smem:$0x3FB6] =	sst s7  }
0x10: {  	[smem:$0x3FB7] =	sst s8  }
0x11: {  	[smem:$0x3FB8] =	sst s9;
	s0 =	simm.s32 @!p0 $0x0  }
0x12: {  	s1 =	sld [smem:$0x3F9E];
	s0 =	simm.s32 @p0 $0x1  }
0x13: {  	[smem:$0x3FB9] =	sst s0;
	s0 =	simm.s32 @!p1 $0x0  }
0x14: {  	s2 =	sld [smem:$0x3F9D];
	s0 =	simm.s32 @p1 $0x1  }
0x15: {  	[smem:$0x3FBA] =	sst s0;
	s0 =	simm.s32 @!p2 $0x0  }
0x16: {  	s3 =	sld [smem:$0x3FDB];
	s0 =	simm.s32 @p2 $0x1  }
0x17: {  	s4 =	simm.s32 $0x1BF5;
	[smem:$0x3FBC] =	sst s0  }
0x18: {  	s0 =	sld [smem:$0x3F9F];
	_ =	swait.ge [sflag:s4], $0x0  }
0x19: {  	s7 =	sld [smem:$0x3FA0]  }
0x1a: {  	s8 =	sadd.s32 $0xFFFFE003, lr  }
0x1b: {  	s9 =	sadd.s32 $0xFFFFFEF7, lr;
	s5 =	simm.s32 $0xFFFFFFFF;
	p2 =	slt.u32 s8, $0xFFFFF086  }
0x1c: {  	p1 =	slt.u32 s9, $0xF7A;
	s5 =	simm.s32 @!p2 $0x0  }
0x1d: {  	s5 =	simm.s32 @p1 $0x1;
	p0 =	seq.s32 s7, s2  }
0x1e: {  	s7 =	smul.u32 @!p0 $0xF7A, s2;
	p2 =	seq.s32 @!p0 s5, $0x0  }
0x1f: {  	s9 =	smul.u32 $0xF7A, s1;
	s8 =	simm.s32 @!p0 $0x1BF5;
	p2 =	por !p2, p0  }
0x20: {  	[sflag:s8] =	ssyncset.s32 @!p0 $0xFFFFF086;
	s6 =	sadd.s32 @!p0 s3, s7;
	s7 =	simm.s32 @!p0 $0x108  }
0x21: {  	s3 =	sadd.s32 s3, s9;
	s6 =	sadd.s32 @!p0 $0x88, s6;
	s7 =	simm.s32 @p2 $0x1082  }
0x22: {  	[simem:s7], [sflag:s8] =	dma.local @!p0 [hbm:s6], $0xF7A  }
0x23: {  	s9 =	sor.u32 $0xD0000000, s2;
	s6 =	simm.s32 $0x108;
	_ =	swait.ge @!p0 [sflag:s8], $0x0  }
0x24: {  	s3 =	sadd.s32 $0x88, s3;
	s6 =	simm.s32 @!p1 $0x1082;
	[sflag:s4] =	ssyncset.s32 $0xFFFFF086  }
0x25: {  	[simem:s6], [sflag:s4] =	dma.local [hbm:s3], $0xF7A  }
0x26: {  	[smem:$0x3FA0] =	sst s1;
	(tag) =	ssettag s2;
	_ =	strace s9  }
0x27: {  	s1 =	sld [smem:$0x3FB0]  }
0x28: {  	s2 =	sld [smem:$0x3FB1]  }
0x29: {  	s4 =	sld [smem:$0x3FB3]  }
0x2a: {  	p0 =	seq.s32 s5, $0x0;
	s5 =	sld [smem:$0x3FB4]  }
0x2b: {  	s6 =	sld [smem:$0x3FB5]  }
0x2c: {  	s7 =	sld [smem:$0x3FB6]  }
0x2d: {  	s3 =	simm.s32 $0x108;
	s8 =	sld [smem:$0x3FB7]  }
0x2e: {  	s3 =	simm.s32 @!p0 $0x1082;
	s9 =	sld [smem:$0x3FB8]  }
0x2f: {  	lr =	sadd.s32 s0, s3;
	s0 =	sld [smem:$0x3FAF]  }
0x30: {  	s3 =	sld [smem:$0x3FB2]  }
0x31: {  	[smem:$0x3FBB] =	sst s10  }
0x32: {  	s10 =	sld [smem:$0x3FB9];
	_ =	sdelay $0x3  }
0x33: {  	p0 =	seq.s32 s10, $0x1;
	s10 =	sld [smem:$0x3FBB];
	_ =	sdelay $0x3  }
0x34: {  	[smem:$0x3FBB] =	sst s10  }
0x35: {  	s10 =	sld [smem:$0x3FBA];
	_ =	sdelay $0x3  }
0x36: {  	p1 =	seq.s32 s10, $0x1;
	s10 =	sld [smem:$0x3FBB];
	_ =	sdelay $0x3  }
0x37: {  	[smem:$0x3FBB] =	sst s10  }
0x38: {  	s10 =	sld [smem:$0x3FBC]  }
0x39: {  	_ = 	snop;
	(pc) =	sbr.ind lr, $3  }
0x3a: {  	_ = 	snop  }
0x3b: {  	_ = 	snop  }
0x3c: {  	p2 =	seq.s32 s10, $0x1;
	s10 =	sld [smem:$0x3FBB]  }
0x3d: {  	_ =	shalt  }
0x3e: {  	_ =	shalt  }
0x3f: {  	_ =	shalt  }
0x40: {  	_ =	shalt  }
0x41: {  	_ =	shalt  }
0x42: {  	_ =	shalt  }
0x43: {  	_ =	shalt  }
0x44: {  	_ =	shalt  }
0x45: {  	_ =	shalt  }
0x46: {  	_ =	shalt  }
0x47: {  	_ =	shalt  }
0x48: {  	_ =	shalt  }
0x49: {  	_ =	shalt  }
0x4a: {  	_ =	shalt  }
0x4b: {  	_ =	shalt  }
0x4c: {  	_ =	shalt  }
0x4d: {  	_ =	shalt  }
0x4e: {  	_ =	shalt  }
0x4f: {  	_ =	shalt  }
0x50: {  	_ =	shalt  }
0x51: {  	_ =	shalt  }
0x52: {  	_ =	shalt  }
0x53: {  	_ =	shalt  }
0x54: {  	_ =	shalt  }
0x55: {  	_ =	shalt  }
0x56: {  	_ =	shalt  }
0x57: {  	_ =	shalt  }
0x58: {  	_ =	shalt  }
0x59: {  	_ =	shalt  }
0x5a: {  	_ =	shalt  }
0x5b: {  	_ =	shalt  }
0x5c: {  	_ =	shalt  }
0x5d: {  	_ =	shalt  }
0x5e: {  	_ =	shalt  }
0x5f: {  	_ =	shalt  }
0x60: {  	_ =	shalt  }
0x61: {  	_ =	shalt  }
0x62: {  	_ =	shalt  }
0x63: {  	_ =	shalt  }
0x64: {  	_ =	shalt  }
0x65: {  	_ =	shalt  }
0x66: {  	_ =	shalt  }
0x67: {  	_ =	shalt  }
0x68: {  	_ =	shalt  }
0x69: {  	_ =	shalt  }
0x6a: {  	_ =	shalt  }
0x6b: {  	_ =	shalt  }
0x6c: {  	_ =	shalt  }
0x6d: {  	_ =	shalt  }
0x6e: {  	_ =	shalt  }
0x6f: {  	_ =	shalt  }
0x70: {  	_ =	shalt  }
0x71: {  	_ =	shalt  }
0x72: {  	_ =	shalt  }
0x73: {  	_ =	shalt  }
0x74: {  	_ =	shalt  }
0x75: {  	_ =	shalt  }
0x76: {  	_ =	shalt  }
0x77: {  	_ =	shalt  }
0x78: {  	_ =	shalt  }
0x79: {  	_ =	shalt  }
0x7a: {  	_ =	shalt  }
0x7b: {  	_ =	shalt  }
0x7c: {  	_ =	shalt  }
0x7d: {  	_ =	shalt  }
0x7e: {  	_ =	shalt  }
0x7f: {  	_ =	shalt  }
0x80: {  	_ =	shalt  }
0x81: {  	_ =	shalt  }
0x82: {  	_ =	shalt  }
0x83: {  	_ =	shalt  }
0x84: {  	_ =	shalt  }
0x85: {  	_ =	shalt  }
0x86: {  	_ =	shalt  }
0x87: {  	_ =	shalt  }
.Lfunc_end0:
.L_simem_size_0:
called_computation_lowered:
.L_overlay_start_0:
0x88: {  	s2 =	sld [smem:$0x3FD9]  }
0x89: {  	s3 =	sld [smem:$0x3FFE];
	_ =	sdelay $0x1  }
0x8a: {  	s1 =	srdreg.scid  }
0x8b: {  	s0 =	sand.u32 $0x1, s1  }
0x8c: {  	s17 =	sshll.u32 s0, $0xA;
	s2 =	sadd.s32 s3, s2  }
0x8d: {  	s2 =	sadd.s32 s2, s17  }
0x8e: {  	[smem:$0x3FC7] =	sst s2  }
0x8f: {  	_ = 	snop  }
0x90: {  	s2 =	sld [smem:$0x3FC9];
	(tm) =	ssettm $0x1  }
0x91: {  	s18 =	sld [smem:$0x3FFB];
	_ =	sdelay $0x3  }
0x92: {  	_ =	strace s18  }
0x93: {  	s3 =	sld [smem:$0x3FFC];
	_ =	sdelay $0x3  }
0x94: {  	_ =	strace s3  }
0x95: {  	s3 =	sld [smem:$0x3FFD];
	_ =	sdelay $0x3  }
0x96: {  	_ =	strace s3  }
0x97: {  	_ =	strace $0x8FFFFFFF  }
0x98: {  	s19 =	sld [smem:$0x3FDB];
	_ =	sdelay $0x1  }
0x99: {  	s4 =	simm.s32 $_scs_section_size  }
0x9a: {  	s5 =	simm.s32 $_size__tile_overlayer_lowered;
	s6 =	simm.s32 $_tile_overlayer_lowered  }
0x9b: {  	s22 =	simm.s32 $0x1BFF;
	s21 =	sshll.u32 s6, $0x1;
	s3 =	sadd.s32 s4, s19  }
0x9c: {  	s7 =	simm.s32 $0x0;
	s20 =	sshll.u32 s5, $0x1;
	s5 =	sadd.s32 s21, s3  }
0x9d: {  	[timem:s7], [sflag:s22] =	dma.local [hbm:s5], s20  }
0x9e: {  	_ =	swait.ge [sflag:s22], s20  }
0x9f: {  	s4 =	ssub.s32 $0x0, s20;
	[sflag:s22] =	ssyncset.done $0x0  }
0xa0: {  	[sflag:s22] =	ssyncadd.s32 s4;
	_ =	sdelay $0x1  }
0xa1: {  	s23 =	simm.s32 $0x1B8B  }
0xa2: {  	_ =	swait.ge [sflag:s23], $0x1  }
0xa3: {  	[sflag:s23] =	ssyncset.done $0x0  }
0xa4: {  	s25 =	simm.s32 $0x1B8E;
	s24 =	sld [smem:$0x3FFE];
	[sflag:s23] =	ssyncadd.s32 $0xFFFFFFFF  }
0xa5: {  	s26 =	simm.s32 $execute0_lowered;
	[smem:$0x3FD2] =	sst s25  }
0xa6: {  	s5 =	sshll.u32 s26, $0x1;
	_ =	strace $0x80000046;
	[dreg:$0x1] =	wrdreg $0xFFFFFFFF  }
0xa7: {  	s28 =	simm.s32 $_size_execute0_lowered;
	s3 =	sadd.s32 s3, s5;
	[dreg:$0x0] =	wrdreg $0x0  }
0xa8: {  	s5 =	sshll.u32 s28, $0x1;
	[dreg:$0x2] =	wrdreg s3  }
0xa9: {  	[dreg:$0x3] =	wrdreg s5  }
0xaa: {  	[dreg:$0x4] =	wrdreg $0xC0  }
0xab: {  	_ =	task [dreg:s7], $0x5FFFF  }
0xac: {  	[dreg:$0x1] =	wrdreg $0xFFFFFFFF  }
0xad: {  	[dreg:$0x0] =	wrdreg $0x60  }
0xae: {  	[dreg:$0x2] =	wrdreg s2  }
0xaf: {  	[dreg:$0x3] =	wrdreg s24  }
0xb0: {  	[dreg:$0x4] =	wrdreg $0x9  }
0xb1: {  	_ =	task.clear_ibuf [dreg:s7], $0x5FFFF;
	_ =	strace $0x90000046  }
0xb2: {  	s29 =	simm.s32 $0x9;
	_ =	strace $0x8000004C  }
0xb3: {  	_ =	swait.ge [sflag:s29], $0x1  }
0xb4: {  	[sflag:s29] =	ssyncadd.s32 $0xFFFFFFFF  }
0xb5: {  	_ =	strace $0x9000004C  }
0xb6: {  	_ =	sfence  }
0xb7: {  	s30 =	sld [smem:$0x0];
	_ =	sdelay $0x2  }
0xb8: {  	s31 =	sshll.u32 s1, $0xD;
	s1 =	sshrl.u32 s1, $0x2  }
0xb9: {  	s3 =	sand.u32 $0x4000, s31;
	s1 =	sadd.s32 s1, s30  }
0xba: {  	s0 =	sor.u32 s3, s0;
	s1 =	sshll.u32 s1, $0x11  }
0xbb: {  	s0 =	sor.u32 s1, s0  }
0xbc: {  	s0 =	sadd.s32 $0x8F2B, s0  }
0xbd: {  	[sflag:s0] =	ssyncadd.remote.s32 $0x1  }
0xbe: {  	_ =	sfence.sel $0xFFFF  }
0xbf: {  	[dreg:$0x0] =	wrdreg $0xFFFFFFFF;
	(pc) =	sbr.abs _section_cstart, $3  }
0xc0: {  	[dreg:$0x1] =	wrdreg $0xFFFFFFFF  }
0xc1: {  	_ =	task.clear_ibuf [dreg:s7], $0x2FFFF;
	_ =	strace $0x9FFFFFFF  }
0xc2: {  	(tm) =	ssettm $0x7FFFFFFF  }
0xc3: {  	_ =	shalt  }
tec
execute0_lowered:
.L_overlay_start_1:
0x0: {  	(tag) =	ssettag $0x1  }
0x1: {  	s1 =	rddreg [dreg:$0x0]  }
0x2: {  	s4 =	rddreg [dreg:$0x1]  }
0x3: {  	s0 =	rddreg [dreg:$0x2];
	s2 =	simm.s32 $0x0  }
0x4: {  	s3 =	srdreg.scid;
	s10 =	simm.s32 $0x80;
	s11 =	simm.s32 $0x400  }
0x5: {  	s12 =	simm.s32 $0x0;
	[smem:$0x7FF] =	sst s2;
	s5 =	sand.u32 $0x1, s3  }
0x6: {  	s3 =	stileid.u32;
	_ =	strace $0x80000047;
	s6 =	sshll.u32 s5, $0x4  }
0x7: {  	s5 =	ssub.s32 $0x2, s5;
	s7 =	sshll.u32 s3, $0x5;
	s9 =	sshll.u32 s3, $0xB  }
0x8: {  	s4 =	sadd.s32 s6, s4;
	s8 =	sshrl.u32 s5, $0x1;
	s7 =	sand.u32 $0x60, s7  }
0x9: {  	s6 =	sor.u32 s3, s6;
	s9 =	sand.u32 $0x6000, s9;
	s4 =	sadd.s32 s7, s4  }
0xa: {  	s29 =	ssub.s32 s5, s8;
	s30 =	sshll.u32 s6, $0xC;
	s5 =	sshll.u32 s6, $0xF  }
0xb: {  	s8 =	simm.s32 $0x2000;
	s31 =	sadd.s32 s9, s4;
	s4 =	sadd.s32 s1, s30  }
0xc: {  	v0 =	vimm.s32 $0x0;
	v1 =	vimm.s32 $0x1;
	s7 =	smax.u32 s29, $0x1;
	s9 =	simm.s32 $0x1;
	s6 =	sadd.s32 $0x600, s31  }
.LBB2_1:
0xd: {  	s13 =	simm.s32 $0x40;
	s14 =	simm.s32 $0x0  }
.LBB2_2:
0xe: {  	p0 =	sne.s32 s13, $0x7FC0;
	[tilespmem:s14+$0x0] =	vst v0;
	s14 =	smov.u32 s13;
	s13 =	sadd.s32 $0x40, s13  }
.Ltmp0:
0xf: {  	(pc) =	sbr.rel @p0 .LBB2_2-.Ltmp0, $2  }
0x10: {  	_ =	sdelay $0x2  }
0x11: {  	s14 =	sshra.s32 s14, $0x2  }
0x12: {  	[tilespmem:s14+$0x0] =	vst v0;
	s13 =	simm.s32 $0x0  }
0x13: {  	s14 =	simm.s32 $0x1;
	s16 =	simm.s32 $0x0;
	_ =	strace $0x80000048  }
0x14: {  	[tilespmem:s8], [sflag:$0x1] =	stream.linear.gather [hbm4b:s4+s13], $0x4000, $0x200038;
	[tilespmem:$0xA000] =	vst v63  }
0x15: {  	s15 =	simm.s32 $0x0;
	s17 =	simm.s32 $0x0;
	_ =	strace $0x90000048  }
.LBB2_4:
0x16: {  	s18 =	smov.u32 s13;
	s13 =	sadd.s32 $0x1, s13  }
0x17: {  	s19 =	simm.s32 $0x1;
	p0 =	seq.s32 s13, $0x2  }
0x18: {  	s19 =	simm.s32 @!p0 $0x0  }
0x19: {  	s20 =	smov.u32 s16;
	s16 =	sadd.s32 s19, s16  }
0x1a: {  	p1 =	seq.s32 s16, $0x8  }
0x1b: {  	s13 =	simm.s32 @p0 $0x0;
	s16 =	simm.s32 @p1 $0x0  }
0x1c: {  	p5 =	sne.s32 s18, s13;
	p4 =	sne.s32 s20, s16  }
0x1d: {  	p6 =	sne.s32 s17, $0xF;
	p0 =	por p5, p4  }
0x1e: {  	p1 =	por !p6, !p0  }
0x1f: {  	p1 =	por !p1, !p1  }
0x20: {  	s18 =	sshll.u32 @p1 s13, $0xE  }
0x21: {  	s19 =	sshll.u32 @p1 s16, $0x14;
	s18 =	sadd.s32 @p1 s5, s18  }
0x22: {  	s20 =	sand.u32 @p1 $0x1, s14;
	_ =	strace @p1 $0x80000049;
	s18 =	sadd.s32 @p1 s19, s18  }
0x23: {  	s21 =	simm.s32 @p1 $0x0;
	s19 =	sshll.u32 @p1 s20, $0xE;
	s18 =	sshrl.u32 @p1 s18, $0x3  }
0x24: {  	s20 =	sadd.s32 @p1 $0x1, s20;
	s19 =	sor.u32 @p1 $0x2000, s19;
	s18 =	sadd.s32 @p1 s1, s18  }
0x25: {  	[tilespmem:s19], [sflag:s20] =	stream.linear.gather @p1 [hbm4b:s18+s21], $0x4000, $0x200038;
	[tilespmem:$0xA000] =	vst v63  }
0x26: {  	s30 =	sand.u32 $0x1, s15;
	_ =	strace @p1 $0x90000049  }
0x27: {  	s31 =	sadd.s32 $0x1, s30;
	_ =	strace $0x8000004A  }
0x28: {  	_ =	swait.ge [sflag:s31], $0x4000  }
0x29: {  	[sflag:s31] =	ssyncset.done $0x0  }
0x2a: {  	s18 =	sshll.u32 s30, $0xE;
	[sflag:s31] =	ssyncadd.s32 $0xFFFFC000  }
0x2b: {  	s19 =	simm.s32 $0x0;
	s20 =	simm.s32 $0x0;
	_ =	strace $0x9000004A  }
0x2c: {  	s21 =	simm.s32 $0x0;
	s18 =	sor.u32 $0x2000, s18;
	_ =	strace $0x8000004B  }
.LBB2_5:
0x2d: {  	s22 =	sshll.u32 s20, $0x2;
	s23 =	sand.u32 $0x3, s19  }
0x2e: {  	s22 =	sand.u32 $0xFFFF8000, s22;
	s23 =	sshll.u32 s23, $0xA  }
0x2f: {  	s22 =	sor.u32 s23, s22  }
0x30: {  	s22 =	sshrl.u32 s22, $0x2  }
0x31: {  	s22 =	sadd.s32 s22, s18  }
0x32: {  	v2 =	vmov s22;
	_ =	sdelay $0x3  }
0x33: {  	s31 =	simm.s32 $0x0  }
0x34: {  	v3 =	vld.idx.msk [tilespmem:v2+s31+$0x4F0 ss:$0x1], $0xffff  }
0x35: {  	v4 =	vld.idx.msk [tilespmem:v2+s31+$0x4D0 ss:$0x1], $0xffff  }
0x36: {  	v5 =	vld.idx.msk [tilespmem:v2+s31+$0x4E0 ss:$0x1], $0xffff  }
0x37: {  	v6 =	vld.idx.msk [tilespmem:v2+s31+$0x4C0 ss:$0x1], $0xffff  }
0x38: {  	v7 =	vld.idx.msk [tilespmem:v2+s31+$0x4B0 ss:$0x1], $0xffff  }
0x39: {  	v8 =	vld.idx.msk [tilespmem:v2+s31+$0x490 ss:$0x1], $0xffff  }
0x3a: {  	v9 =	vld.idx.msk [tilespmem:v2+s31+$0x480 ss:$0x1], $0xffff  }
0x3b: {  	v10 =	vld.idx.msk [tilespmem:v2+s31+$0x4A0 ss:$0x1], $0xffff  }
0x3c: {  	v11 =	vld.idx.msk [tilespmem:v2+s31+$0xF0 ss:$0x1], $0xffff  }
0x3d: {  	v12 =	vld.idx.msk [tilespmem:v2+s31+$0xE0 ss:$0x1], $0xffff  }
0x3e: {  	v13 =	vld.idx.msk [tilespmem:v2+s31+$0xC0 ss:$0x1], $0xffff  }
0x3f: {  	v14 =	vld.idx.msk [tilespmem:v2+s31+$0xB0 ss:$0x1], $0xffff  }
0x40: {  	v15 =	vld.idx.msk [tilespmem:v2+s31+$0x90 ss:$0x1], $0xffff  }
0x41: {  	v16 =	vld.idx.msk [tilespmem:v2+s31+$0x460 ss:$0x1], $0xffff  }
0x42: {  	v17 =	vld.idx.msk [tilespmem:v2+s31+$0x50 ss:$0x1], $0xffff  }
0x43: {  	v18 =	vld.idx.msk [tilespmem:v2+s31+$0x40 ss:$0x1], $0xffff  }
0x44: {  	v19 =	vld.idx.msk [tilespmem:v2+s31+$0x430 ss:$0x1], $0xffff  }
0x45: {  	v20 =	vld.idx.msk [tilespmem:v2+s31+$0x410 ss:$0x1], $0xffff  }
0x46: {  	v21 =	vld.idx.msk [tilespmem:v2+s31+$0x70 ss:$0x1], $0xffff  }
0x47: {  	v22 =	vld.idx.msk [tilespmem:v2+s31+$0x400 ss:$0x1], $0xffff  }
0x48: {  	v23 =	vld.idx.msk [tilespmem:v2+s31+$0x60 ss:$0x1], $0xffff  }
0x49: {  	v24 =	vld.idx.msk [tilespmem:v2+s31+$0x30 ss:$0x1], $0xffff  }
0x4a: {  	v25 =	vld.idx.msk [tilespmem:v2+s31+$0x10 ss:$0x1], $0xffff  }
0x4b: {  	v26 =	vld.idx.msk [tilespmem:v2+s31+$0x20 ss:$0x1], $0xffff  }
0x4c: {  	v27 =	vld.idx.msk [tilespmem:v2+s31+$0x0 ss:$0x1], $0xffff  }
0x4d: {  	v28 =	vld.idx.msk [tilespmem:v2+s31+$0x80 ss:$0x1], $0xffff  }
0x4e: {  	v29 =	vld.idx.msk [tilespmem:v2+s31+$0xA0 ss:$0x1], $0xffff  }
0x4f: {  	v30 =	vld.idx.msk [tilespmem:v2+s31+$0x470 ss:$0x1], $0xffff  }
0x50: {  	v31 =	vld.idx.msk [tilespmem:v2+s31+$0xD0 ss:$0x1], $0xffff  }
0x51: {  	v32 =	vld.idx.msk [tilespmem:v2+s31+$0x450 ss:$0x1], $0xffff  }
0x52: {  	v33 =	vld.idx.msk [tilespmem:v2+s31+$0x420 ss:$0x1], $0xffff  }
0x53: {  	v34 =	vld.idx.msk [tilespmem:v2+s31+$0x440 ss:$0x1], $0xffff  }
0x54: {  	[tilespmem:v27+s2+$0x0] =	vst.idx.add.s32.msk $0xffff, v1  }
0x55: {  	[tilespmem:v25+s2+$0x0] =	vst.idx.add.s32.msk $0xffff, v1  }
0x56: {  	[tilespmem:v26+s2+$0x0] =	vst.idx.add.s32.msk $0xffff, v1  }
0x57: {  	[tilespmem:v24+s2+$0x0] =	vst.idx.add.s32.msk $0xffff, v1  }
0x58: {  	[tilespmem:v18+s2+$0x0] =	vst.idx.add.s32.msk $0xffff, v1  }
0x59: {  	[tilespmem:v17+s2+$0x0] =	vst.idx.add.s32.msk $0xffff, v1  }
0x5a: {  	[tilespmem:v23+s2+$0x0] =	vst.idx.add.s32.msk $0xffff, v1  }
0x5b: {  	[tilespmem:v21+s2+$0x0] =	vst.idx.add.s32.msk $0xffff, v1  }
0x5c: {  	[tilespmem:v22+s2+$0x0] =	vst.idx.add.s32.msk $0xffff, v1  }
0x5d: {  	[tilespmem:v20+s2+$0x0] =	vst.idx.add.s32.msk $0xffff, v1  }
0x5e: {  	[tilespmem:v33+s2+$0x0] =	vst.idx.add.s32.msk $0xffff, v1  }
0x5f: {  	[tilespmem:v19+s2+$0x0] =	vst.idx.add.s32.msk $0xffff, v1  }
0x60: {  	[tilespmem:v34+s2+$0x0] =	vst.idx.add.s32.msk $0xffff, v1  }
0x61: {  	[tilespmem:v32+s2+$0x0] =	vst.idx.add.s32.msk $0xffff, v1  }
0x62: {  	[tilespmem:v16+s2+$0x0] =	vst.idx.add.s32.msk $0xffff, v1  }
0x63: {  	[tilespmem:v30+s2+$0x0] =	vst.idx.add.s32.msk $0xffff, v1  }
0x64: {  	[tilespmem:v28+s2+$0x0] =	vst.idx.add.s32.msk $0xffff, v1  }
0x65: {  	[tilespmem:v15+s2+$0x0] =	vst.idx.add.s32.msk $0xffff, v1  }
0x66: {  	[tilespmem:v29+s2+$0x0] =	vst.idx.add.s32.msk $0xffff, v1  }
0x67: {  	[tilespmem:v14+s2+$0x0] =	vst.idx.add.s32.msk $0xffff, v1  }
0x68: {  	[tilespmem:v13+s2+$0x0] =	vst.idx.add.s32.msk $0xffff, v1  }
0x69: {  	[tilespmem:v31+s2+$0x0] =	vst.idx.add.s32.msk $0xffff, v1  }
0x6a: {  	[tilespmem:v12+s2+$0x0] =	vst.idx.add.s32.msk $0xffff, v1  }
0x6b: {  	[tilespmem:v11+s2+$0x0] =	vst.idx.add.s32.msk $0xffff, v1  }
0x6c: {  	[tilespmem:v9+s2+$0x0] =	vst.idx.add.s32.msk $0xffff, v1  }
0x6d: {  	[tilespmem:v8+s2+$0x0] =	vst.idx.add.s32.msk $0xffff, v1  }
0x6e: {  	[tilespmem:v10+s2+$0x0] =	vst.idx.add.s32.msk $0xffff, v1  }
0x6f: {  	[tilespmem:v7+s2+$0x0] =	vst.idx.add.s32.msk $0xffff, v1  }
0x70: {  	[tilespmem:v6+s2+$0x0] =	vst.idx.add.s32.msk $0xffff, v1  }
0x71: {  	[tilespmem:v4+s2+$0x0] =	vst.idx.add.s32.msk $0xffff, v1  }
0x72: {  	s22 =	simm.s32 $0x2000;
	[tilespmem:v5+s2+$0x0] =	vst.idx.add.s32.msk $0xffff, v1  }
.LBB2_6:
0x73: {  	s23 =	sshra.s32 s22, $0x2;
	p2 =	sne.s32 s22, $0x6000;
	s22 =	sadd.s32 $0x2000, s22;
	[tilespmem:v3+s2+$0x0] =	vst.idx.add.s32.msk $0xffff, v1  }
0x74: {  	v3 =	vld.idx.msk [tilespmem:v2+s23+$0x4F0 ss:$0x1], $0xffff  }
0x75: {  	v4 =	vld.idx.msk [tilespmem:v2+s23+$0x4D0 ss:$0x1], $0xffff  }
0x76: {  	v5 =	vld.idx.msk [tilespmem:v2+s23+$0x4E0 ss:$0x1], $0xffff  }
0x77: {  	v6 =	vld.idx.msk [tilespmem:v2+s23+$0x4C0 ss:$0x1], $0xffff  }
0x78: {  	v7 =	vld.idx.msk [tilespmem:v2+s23+$0x4B0 ss:$0x1], $0xffff  }
0x79: {  	v8 =	vld.idx.msk [tilespmem:v2+s23+$0x490 ss:$0x1], $0xffff  }
0x7a: {  	v9 =	vld.idx.msk [tilespmem:v2+s23+$0x480 ss:$0x1], $0xffff  }
0x7b: {  	v10 =	vld.idx.msk [tilespmem:v2+s23+$0x4A0 ss:$0x1], $0xffff  }
0x7c: {  	v11 =	vld.idx.msk [tilespmem:v2+s23+$0xF0 ss:$0x1], $0xffff  }
0x7d: {  	v12 =	vld.idx.msk [tilespmem:v2+s23+$0xE0 ss:$0x1], $0xffff  }
0x7e: {  	v13 =	vld.idx.msk [tilespmem:v2+s23+$0xC0 ss:$0x1], $0xffff  }
0x7f: {  	v14 =	vld.idx.msk [tilespmem:v2+s23+$0xB0 ss:$0x1], $0xffff  }
0x80: {  	v15 =	vld.idx.msk [tilespmem:v2+s23+$0x90 ss:$0x1], $0xffff  }
0x81: {  	v16 =	vld.idx.msk [tilespmem:v2+s23+$0x460 ss:$0x1], $0xffff  }
0x82: {  	v17 =	vld.idx.msk [tilespmem:v2+s23+$0x50 ss:$0x1], $0xffff  }
0x83: {  	v18 =	vld.idx.msk [tilespmem:v2+s23+$0x40 ss:$0x1], $0xffff  }
0x84: {  	v19 =	vld.idx.msk [tilespmem:v2+s23+$0x430 ss:$0x1], $0xffff  }
0x85: {  	v20 =	vld.idx.msk [tilespmem:v2+s23+$0x410 ss:$0x1], $0xffff  }
0x86: {  	v21 =	vld.idx.msk [tilespmem:v2+s23+$0x70 ss:$0x1], $0xffff  }
0x87: {  	v22 =	vld.idx.msk [tilespmem:v2+s23+$0x400 ss:$0x1], $0xffff  }
0x88: {  	v23 =	vld.idx.msk [tilespmem:v2+s23+$0x60 ss:$0x1], $0xffff  }
0x89: {  	v24 =	vld.idx.msk [tilespmem:v2+s23+$0x30 ss:$0x1], $0xffff  }
0x8a: {  	v25 =	vld.idx.msk [tilespmem:v2+s23+$0x10 ss:$0x1], $0xffff  }
0x8b: {  	v26 =	vld.idx.msk [tilespmem:v2+s23+$0x20 ss:$0x1], $0xffff  }
0x8c: {  	v27 =	vld.idx.msk [tilespmem:v2+s23+$0x0 ss:$0x1], $0xffff  }
0x8d: {  	v28 =	vld.idx.msk [tilespmem:v2+s23+$0x80 ss:$0x1], $0xffff  }
0x8e: {  	v29 =	vld.idx.msk [tilespmem:v2+s23+$0xA0 ss:$0x1], $0xffff  }
0x8f: {  	v30 =	vld.idx.msk [tilespmem:v2+s23+$0x470 ss:$0x1], $0xffff  }
0x90: {  	v31 =	vld.idx.msk [tilespmem:v2+s23+$0xD0 ss:$0x1], $0xffff  }
0x91: {  	v32 =	vld.idx.msk [tilespmem:v2+s23+$0x450 ss:$0x1], $0xffff  }
0x92: {  	v33 =	vld.idx.msk [tilespmem:v2+s23+$0x420 ss:$0x1], $0xffff  }
0x93: {  	v34 =	vld.idx.msk [tilespmem:v2+s23+$0x440 ss:$0x1], $0xffff  }
0x94: {  	[tilespmem:v27+s2+$0x0] =	vst.idx.add.s32.msk $0xffff, v1  }
0x95: {  	[tilespmem:v25+s2+$0x0] =	vst.idx.add.s32.msk $0xffff, v1  }
0x96: {  	[tilespmem:v26+s2+$0x0] =	vst.idx.add.s32.msk $0xffff, v1  }
0x97: {  	[tilespmem:v24+s2+$0x0] =	vst.idx.add.s32.msk $0xffff, v1  }
0x98: {  	[tilespmem:v18+s2+$0x0] =	vst.idx.add.s32.msk $0xffff, v1  }
0x99: {  	[tilespmem:v17+s2+$0x0] =	vst.idx.add.s32.msk $0xffff, v1  }
0x9a: {  	[tilespmem:v23+s2+$0x0] =	vst.idx.add.s32.msk $0xffff, v1  }
0x9b: {  	[tilespmem:v21+s2+$0x0] =	vst.idx.add.s32.msk $0xffff, v1  }
0x9c: {  	[tilespmem:v22+s2+$0x0] =	vst.idx.add.s32.msk $0xffff, v1  }
0x9d: {  	[tilespmem:v20+s2+$0x0] =	vst.idx.add.s32.msk $0xffff, v1  }
0x9e: {  	[tilespmem:v33+s2+$0x0] =	vst.idx.add.s32.msk $0xffff, v1  }
0x9f: {  	[tilespmem:v19+s2+$0x0] =	vst.idx.add.s32.msk $0xffff, v1  }
0xa0: {  	[tilespmem:v34+s2+$0x0] =	vst.idx.add.s32.msk $0xffff, v1  }
0xa1: {  	[tilespmem:v32+s2+$0x0] =	vst.idx.add.s32.msk $0xffff, v1  }
0xa2: {  	[tilespmem:v16+s2+$0x0] =	vst.idx.add.s32.msk $0xffff, v1  }
0xa3: {  	[tilespmem:v30+s2+$0x0] =	vst.idx.add.s32.msk $0xffff, v1  }
0xa4: {  	[tilespmem:v28+s2+$0x0] =	vst.idx.add.s32.msk $0xffff, v1  }
0xa5: {  	[tilespmem:v15+s2+$0x0] =	vst.idx.add.s32.msk $0xffff, v1  }
0xa6: {  	[tilespmem:v29+s2+$0x0] =	vst.idx.add.s32.msk $0xffff, v1  }
0xa7: {  	[tilespmem:v14+s2+$0x0] =	vst.idx.add.s32.msk $0xffff, v1  }
0xa8: {  	[tilespmem:v13+s2+$0x0] =	vst.idx.add.s32.msk $0xffff, v1  }
0xa9: {  	[tilespmem:v31+s2+$0x0] =	vst.idx.add.s32.msk $0xffff, v1  }
0xaa: {  	[tilespmem:v12+s2+$0x0] =	vst.idx.add.s32.msk $0xffff, v1  }
0xab: {  	[tilespmem:v11+s2+$0x0] =	vst.idx.add.s32.msk $0xffff, v1  }
0xac: {  	[tilespmem:v9+s2+$0x0] =	vst.idx.add.s32.msk $0xffff, v1  }
0xad: {  	[tilespmem:v8+s2+$0x0] =	vst.idx.add.s32.msk $0xffff, v1  }
.Ltmp1:
0xae: {  	[tilespmem:v10+s2+$0x0] =	vst.idx.add.s32.msk $0xffff, v1;
	(pc) =	sbr.rel @p2 .LBB2_6-.Ltmp1, $4  }
0xaf: {  	[tilespmem:v7+s2+$0x0] =	vst.idx.add.s32.msk $0xffff, v1  }
0xb0: {  	[tilespmem:v6+s2+$0x0] =	vst.idx.add.s32.msk $0xffff, v1  }
0xb1: {  	[tilespmem:v4+s2+$0x0] =	vst.idx.add.s32.msk $0xffff, v1  }
0xb2: {  	[tilespmem:v5+s2+$0x0] =	vst.idx.add.s32.msk $0xffff, v1  }
0xb3: {  	s21 =	sadd.s32 $0x1, s21  }
0xb4: {  	p2 =	sne.s32 s21, $0x8  }
.Ltmp2:
0xb5: {  	_ = 	snop;
	(pc) =	sbr.rel @p2 .LBB2_5-.Ltmp2, $2  }
0xb6: {  	_ =	sdelay $0x2  }
0xb7: {  	[tilespmem:v3+s2+$0x0] =	vst.idx.add.s32.msk $0xffff, v1;
	s20 =	sadd.s32 $0x800, s20;
	s19 =	sadd.s32 $0x1, s19  }
0xb8: {  	p2 =	seq.s32 s17, $0xF  }
0xb9: {  	s19 =	simm.s32 $0x1;
	s17 =	sadd.s32 $0x1, s17;
	p0 =	por p2, p0  }
0xba: {  	s19 =	simm.s32 @!p0 $0x0;
	p0 =	sne.s32 s17, $0x10  }
.Ltmp3:
0xbb: {  	_ = 	snop;
	(pc) =	sbr.rel @p0 .LBB2_4-.Ltmp3, $4  }
0xbc: {  	_ = 	snop  }
0xbd: {  	s18 =	simm.s32 $0x1  }
0xbe: {  	s18 =	simm.s32 @!p1 $0x0  }
0xbf: {  	_ =	strace $0x9000004B;
	s14 =	sadd.s32 s18, s14;
	s15 =	sadd.s32 s19, s15  }
0xc0: {  	s12 =	sadd.s32 $0x1, s12  }
0xc1: {  	p0 =	sne.s32 s12, s7  }
.Ltmp4:
0xc2: {  	_ = 	snop;
	(pc) =	sbr.rel @p0 .LBB2_1-.Ltmp4, $4  }
0xc3: {  	[hbm4b:s6+s10] =	stream.strided.scatter [tilespmem:s2], [sflag:$0x1], $0x2000, s11, s10, $0x38;
	[tilespmem:$0xA000] =	vst v63  }
0xc4: {  	_ =	swait.ge [sflag:s9], $0x2000  }
0xc5: {  	[sflag:s9] =	ssyncset.done $0x0  }
0xc6: {  	[sflag:s9] =	ssyncadd.s32 $0xFFFFE000  }
0xc7: {  	_ =	sfence.sel $0x180000  }
0xc8: {  	[bflag:$0x0] =	sbarrier.arrive $0xFFFF  }
0xc9: {  	p0 =	sne.s32 s3, $0x0;
	_ =	strace $0x90000047  }
0xca: {  	s0 =	sadd.s32 @!p0 $0x100000, s0;
	[bflag:$0x2] =	sbarrier.arrive $0xFFFF  }
0xcb: {  	[sflag:s0] =	ssyncadd.tile.s32 @!p0 $0x1;
	_ =	shalt  }
.Lfunc_end2:
_tile_overlayer_lowered:
.L_overlay_start_2:
0xcc: {  	(tag) =	ssettag $0x2  }
0xcd: {  	s0 =	rddreg [dreg:$0x0];
	s2 =	stileid.u32  }
0xce: {  	s1 =	rddreg [dreg:$0x1];
	p0 =	sne.s32 s2, $0x0  }
0xcf: {  	s3 =	rddreg [dreg:$0x2];
	[bflag:$0x3] =	sbarrier.arrive $0xFFFF;
	s2 =	simm.s32 @!p0 $0x1C01  }
0xd0: {  	[timem:s3], [sflag:s2] =	dma.local @!p0 [hbm:s0], s1  }
0xd1: {  	s0 =	simm.s32 @!p0 $0x1  }
0xd2: {  	_ =	swait.ge @!p0 [sflag:s0], s1  }
0xd3: {  	s1 =	ssub.s32 @!p0 $0x0, s1;
	[sflag:s0] =	ssyncset.done @!p0 $0x0  }
0xd4: {  	[sflag:s0] =	ssyncadd.s32 @!p0 s1  }
0xd5: {  	[bflag:$0x3] =	sbarrier.arrive $0xFFFF  }
0xd6: {  	_ =	shalt  }

</sc_bundles>
